<compile_context>
chip_gen: v7x
topology: tpu7x:2x2x1
jax: 0.10.2.dev20260603
libtpu: 0.0.44.dev20260713+nightly
codegen_flags: <defaults>
</compile_context>

<pallas_src>
import functools

import jax
import jax.numpy as jnp
from jax import lax
from jax.experimental import pallas as pl
from jax.experimental.pallas import tpu as pltpu
from jax.experimental.pallas import tpu_sc as plsc

N = 100000
N_IN = 128
N_HID = 32
M = 2000

M2 = 2048
SR = M2 + 1
NT = 16
CH = 6240
TAIL = N - NT * CH
BLK = 10000
GRID = N // BLK


def _mlp_body(x_ref, w1_ref, b1_ref, w2_ref, b2_ref, y_ref):
    x = x_ref[...]
    h = jnp.dot(x, w1_ref[...], preferred_element_type=jnp.float32)
    h = h + b1_ref[...]
    h = h * jax.nn.sigmoid(h)
    y = jnp.dot(h, w2_ref[...], preferred_element_type=jnp.float32)
    y_ref[...] = y + b2_ref[...]


def _mlp(x, W1, b1, W2, b2):
    return pl.pallas_call(
        _mlp_body,
        grid=(GRID,),
        in_specs=[
            pl.BlockSpec((BLK, N_IN), lambda i: (i, 0)),
            pl.BlockSpec((N_IN, N_HID), lambda i: (0, 0)),
            pl.BlockSpec((1, N_HID), lambda i: (0, 0)),
            pl.BlockSpec((N_HID, 1), lambda i: (0, 0)),
            pl.BlockSpec((1, 1), lambda i: (0, 0)),
        ],
        out_specs=pl.BlockSpec((BLK, 1), lambda i: (i, 0)),
        out_shape=jax.ShapeDtypeStruct((N, 1), jnp.float32),
    )(x, W1, b1.reshape(1, N_HID), W2, b2.reshape(1, 1))


def _seg_body(y_hbm, idx_hbm, out_hbm,
              idx_v, val_v, tidx_v, tval_v, acc_v, row_v, red_v, out_v,
              shared):
    wid = lax.axis_index("s")
    is_last = wid == NT - 1
    base = wid * CH
    pltpu.sync_copy(idx_hbm.at[pl.ds(base, CH)], idx_v)
    pltpu.sync_copy(y_hbm.at[pl.ds(base, CH)], val_v)
    pltpu.sync_copy(idx_hbm.at[pl.ds(NT * CH, TAIL)], tidx_v)
    pltpu.sync_copy(y_hbm.at[pl.ds(NT * CH, TAIL)], tval_v)

    lo = idx_v[pl.ds(0, 16)][0]
    hi = jnp.where(is_last, tidx_v[pl.ds(TAIL - 16, 16)][15],
                   idx_v[pl.ds(CH - 16, 16)][15])
    g0 = lax.shift_right_logical(lo, 4)
    g1 = lax.shift_right_logical(hi, 4)
    trips = g1 - g0 + 1

    zeros16 = jnp.zeros((16,), jnp.float32)

    def zrow_body(c, carry):
        for u in range(8):
            row_v[pl.ds((c * 8 + u) * 16, 16)] = zeros16
        return carry

    lax.fori_loop(0, M2 // 128, zrow_body, 0)

    def zero_body(c, carry):
        for r in range(NT):
            acc_v[pl.ds(r * SR + (g0 + c) * 16, 16)] = zeros16
        return carry

    lax.fori_loop(0, trips, zero_body, 0)

    lane_off = lax.iota(jnp.int32, 16) * SR

    def scat_body(i, carry):
        for u in range(10):
            iv = idx_v[pl.ds((i * 10 + u) * 16, 16)]
            vv = val_v[pl.ds((i * 10 + u) * 16, 16)]
            plsc.addupdate_scatter(acc_v, [iv + lane_off], vv)
        return carry

    lax.fori_loop(0, CH // 160, scat_body, 0)

    @pl.when(is_last)
    def _tail():
        def tscat_body(i, carry):
            iv = tidx_v[pl.ds(i * 16, 16)]
            vv = tval_v[pl.ds(i * 16, 16)]
            plsc.addupdate_scatter(acc_v, [iv + lane_off], vv)
            return carry

        lax.fori_loop(0, TAIL // 16, tscat_body, 0)

    def red_body(c, carry):
        s = acc_v[pl.ds((g0 + c) * 16, 16)]
        for r in range(1, NT):
            s = s + acc_v[pl.ds(r * SR + (g0 + c) * 16, 16)]
        row_v[pl.ds((g0 + c) * 16, 16)] = s
        return carry

    lax.fori_loop(0, trips, red_body, 0)

    pltpu.sync_copy(row_v, shared.at[wid])
    plsc.subcore_barrier()

    pltpu.sync_copy(shared.at[:, pl.ds(wid * 128, 128)], red_v)

    def fin_body(c, carry):
        s = red_v[0, pl.ds(c * 16, 16)]
        for r in range(1, NT):
            s = s + red_v[r, pl.ds(c * 16, 16)]
        out_v[pl.ds(c * 16, 16)] = s
        return carry

    lax.fori_loop(0, 128 // 16, fin_body, 0)

    @pl.when(jnp.logical_not(is_last))
    def _full_write():
        pltpu.sync_copy(out_v, out_hbm.at[pl.ds(wid * 128, 128)])

    @pl.when(is_last)
    def _last_write():
        pltpu.sync_copy(out_v.at[pl.ds(0, M - (NT - 1) * 128)],
                        out_hbm.at[pl.ds((NT - 1) * 128,
                                         M - (NT - 1) * 128)])


@functools.cache
def _make_seg():
    @functools.partial(
        pl.kernel,
        mesh=plsc.VectorSubcoreMesh(core_axis_name="c", subcore_axis_name="s",
                                    num_cores=1),
        out_type=jax.ShapeDtypeStruct((M,), jnp.float32),
        compiler_params=pltpu.CompilerParams(
            use_tc_tiling_on_sc=False, needs_layout_passes=False),
        scratch_types=[
            pltpu.VMEM((CH,), jnp.int32),
            pltpu.VMEM((CH,), jnp.float32),
            pltpu.VMEM((TAIL,), jnp.int32),
            pltpu.VMEM((TAIL,), jnp.float32),
            pltpu.VMEM((NT * SR,), jnp.float32),
            pltpu.VMEM((M2,), jnp.float32),
            pltpu.VMEM((NT, 128), jnp.float32),
            pltpu.VMEM((128,), jnp.float32),
            pltpu.VMEM_SHARED((NT, M2), jnp.float32),
        ],
    )
    def _seg(y_hbm, idx_hbm, out_hbm, *scratch):
        _seg_body(y_hbm, idx_hbm, out_hbm, *scratch)

    return _seg


def kernel(scalar_representation, idx_m, W1, b1, W2, b2):
    y = _mlp(scalar_representation, W1, b1, W2, b2).reshape(N)
    return _make_seg()(y, idx_m)

# --- scband reference (transcript-rebuilt; emitter-appended) ---
"""Pipeline reference for scband-dropout-atomwise-31671088841014 (READ-ONLY COPY).

The authoritative reference and input builder live on the scoring server;
editing this copy changes nothing except your own understanding.
"""

import jax, jax.numpy as jnp
import numpy as np

N = 100000
N_IN = 128
N_HIDDEN = 32
N_OUT = 1
M = 2000


def setup_inputs(seed: int = 0) -> dict:
    key = jax.random.key(seed)
    k0, k1, k2, k3 = jax.random.split(key, 4)
    x = jax.random.normal(k0, (N, N_IN), dtype=jnp.float32)
    idx_m = jnp.sort(jax.random.randint(k1, (N,), 0, M))
    idx_m = idx_m.at[-1].set(M - 1)  # ensure maxm == M deterministically
    idx_m = idx_m.astype(jnp.int32)
    W1 = jax.random.normal(k2, (N_IN, N_HIDDEN), dtype=jnp.float32) / np.sqrt(N_IN)
    b1 = jnp.zeros((N_HIDDEN,), dtype=jnp.float32)
    W2 = jax.random.normal(k3, (N_HIDDEN, N_OUT), dtype=jnp.float32) / np.sqrt(N_HIDDEN)
    b2 = jnp.zeros((N_OUT,), dtype=jnp.float32)
    return {"scalar_representation": x, "idx_m": idx_m,
            "W1": W1, "b1": b1, "W2": W2, "b2": b2}


def reference(scalar_representation, idx_m, W1, b1, W2, b2):
    # outnet: Dense(n_in->n_hidden) + silu + dropout(eval: identity) + Dense(n_hidden->n_out)
    h = jax.nn.silu(scalar_representation @ W1 + b1)
    y = h @ W2 + b2  # [N, 1] per-atom contributions
    maxm = M
    y = jax.ops.segment_sum(y, idx_m, num_segments=maxm)  # scatter_add over molecule id
    y = jnp.squeeze(y, -1)  # [M] per-molecule energies (aggregation_mode='sum')
    return y

if __name__ == "__main__":
    import jax
    _d = setup_inputs()
    print(jax.jit(kernel)(*tuple(_d.values())))

</pallas_src>

<mosaic_0001>
#map = affine_map<(d0, d1) -> (0)>
module attributes {stable_mosaic.version = 14 : i64} {
  func.func @_seg(%arg0: i32, %arg1: i32, %arg2: memref<100000xf32, #tpu.memory_space<hbm>>, %arg3: memref<100000xi32, #tpu.memory_space<hbm>>, %arg4: memref<2000xf32, #tpu.memory_space<hbm>>, %arg5: memref<6240xi32, #tpu.memory_space<vmem>>, %arg6: memref<6240xf32, #tpu.memory_space<vmem>>, %arg7: memref<160xi32, #tpu.memory_space<vmem>>, %arg8: memref<160xf32, #tpu.memory_space<vmem>>, %arg9: memref<32784xf32, #tpu.memory_space<vmem>>, %arg10: memref<2048xf32, #tpu.memory_space<vmem>>, %arg11: memref<16x128xf32, #tpu.memory_space<vmem>>, %arg12: memref<128xf32, #tpu.memory_space<vmem>>, %arg13: memref<16x2048xf32, #tpu.memory_space<vmem_shared>>) attributes {dimension_semantics = [#tpu.dimension_semantics<core_parallel>, #tpu.dimension_semantics<subcore_parallel>], iteration_bounds = array<i64: 1, 16>, scalar_prefetch = 0 : i64, scratch_operands = 9 : i64, tpu.core_type = #tpu.core_type<sc_vector_subcore>, window_params = [{transform_indices = #map}, {transform_indices = #map}, {transform_indices = #map}]} {
    %eq3A = arith.constant 15 : i32
    %eq3A_0 = arith.cmpi eq, %arg1, %eq3A : i32
    %mul3A = arith.constant 6240 : i32
    %mul3A_1 = arith.muli %arg1, %mul3A : i32
    "tpu.region"() ({
      %run_scoped3A = tpu.sem_alloc : memref<!tpu.dma_semaphore, #tpu.memory_space<semaphore_mem>>
      %dma_start3A = tpu.memref_slice %arg3[%mul3A_1] : memref<100000xi32, #tpu.memory_space<hbm>> -> memref<6240xi32, #tpu.memory_space<hbm>>
      %dma_start3A_65 = tpu.memref_slice %arg3[%mul3A_1] : memref<100000xi32, #tpu.memory_space<hbm>> -> memref<6240xi32, #tpu.memory_space<hbm>>
      tpu.enqueue_dma source(%dma_start3A_65 : memref<6240xi32, #tpu.memory_space<hbm>>) target(%arg5 : memref<6240xi32, #tpu.memory_space<vmem>>) target_semaphore(%run_scoped3A : memref<!tpu.dma_semaphore, #tpu.memory_space<semaphore_mem>>)
      %dma_wait3A = tpu.memref_slice %arg3[%mul3A_1] : memref<100000xi32, #tpu.memory_space<hbm>> -> memref<6240xi32, #tpu.memory_space<hbm>>
      %dma_wait3A_66 = tpu.memref_slice %arg3[%mul3A_1] : memref<100000xi32, #tpu.memory_space<hbm>> -> memref<6240xi32, #tpu.memory_space<hbm>>
      tpu.wait_dma2 semaphore(%run_scoped3A : memref<!tpu.dma_semaphore, #tpu.memory_space<semaphore_mem>>) src(%dma_wait3A_66 : memref<6240xi32, #tpu.memory_space<hbm>>) dst(%arg5 : memref<6240xi32, #tpu.memory_space<vmem>>)
      tpu.yield
    }) : () -> ()
    "tpu.region"() ({
      %run_scoped3A = tpu.sem_alloc : memref<!tpu.dma_semaphore, #tpu.memory_space<semaphore_mem>>
      %dma_start3A = tpu.memref_slice %arg2[%mul3A_1] : memref<100000xf32, #tpu.memory_space<hbm>> -> memref<6240xf32, #tpu.memory_space<hbm>>
      %dma_start3A_65 = tpu.memref_slice %arg2[%mul3A_1] : memref<100000xf32, #tpu.memory_space<hbm>> -> memref<6240xf32, #tpu.memory_space<hbm>>
      tpu.enqueue_dma source(%dma_start3A_65 : memref<6240xf32, #tpu.memory_space<hbm>>) target(%arg6 : memref<6240xf32, #tpu.memory_space<vmem>>) target_semaphore(%run_scoped3A : memref<!tpu.dma_semaphore, #tpu.memory_space<semaphore_mem>>)
      %dma_wait3A = tpu.memref_slice %arg2[%mul3A_1] : memref<100000xf32, #tpu.memory_space<hbm>> -> memref<6240xf32, #tpu.memory_space<hbm>>
      %dma_wait3A_66 = tpu.memref_slice %arg2[%mul3A_1] : memref<100000xf32, #tpu.memory_space<hbm>> -> memref<6240xf32, #tpu.memory_space<hbm>>
      tpu.wait_dma2 semaphore(%run_scoped3A : memref<!tpu.dma_semaphore, #tpu.memory_space<semaphore_mem>>) src(%dma_wait3A_66 : memref<6240xf32, #tpu.memory_space<hbm>>) dst(%arg6 : memref<6240xf32, #tpu.memory_space<vmem>>)
      tpu.yield
    }) : () -> ()
    "tpu.region"() ({
      %run_scoped3A = tpu.sem_alloc : memref<!tpu.dma_semaphore, #tpu.memory_space<semaphore_mem>>
      %dma_start3A = arith.constant 99840 : i32
      %dma_start3A_65 = tpu.memref_slice %arg3[%dma_start3A] : memref<100000xi32, #tpu.memory_space<hbm>> -> memref<160xi32, #tpu.memory_space<hbm>>
      %dma_start3A_66 = arith.constant 99840 : i32
      %dma_start3A_67 = tpu.memref_slice %arg3[%dma_start3A_66] : memref<100000xi32, #tpu.memory_space<hbm>> -> memref<160xi32, #tpu.memory_space<hbm>>
      tpu.enqueue_dma source(%dma_start3A_67 : memref<160xi32, #tpu.memory_space<hbm>>) target(%arg7 : memref<160xi32, #tpu.memory_space<vmem>>) target_semaphore(%run_scoped3A : memref<!tpu.dma_semaphore, #tpu.memory_space<semaphore_mem>>)
      %dma_wait3A = arith.constant 99840 : i32
      %dma_wait3A_68 = tpu.memref_slice %arg3[%dma_wait3A] : memref<100000xi32, #tpu.memory_space<hbm>> -> memref<160xi32, #tpu.memory_space<hbm>>
      %dma_wait3A_69 = arith.constant 99840 : i32
      %dma_wait3A_70 = tpu.memref_slice %arg3[%dma_wait3A_69] : memref<100000xi32, #tpu.memory_space<hbm>> -> memref<160xi32, #tpu.memory_space<hbm>>
      tpu.wait_dma2 semaphore(%run_scoped3A : memref<!tpu.dma_semaphore, #tpu.memory_space<semaphore_mem>>) src(%dma_wait3A_70 : memref<160xi32, #tpu.memory_space<hbm>>) dst(%arg7 : memref<160xi32, #tpu.memory_space<vmem>>)
      tpu.yield
    }) : () -> ()
    "tpu.region"() ({
      %run_scoped3A = tpu.sem_alloc : memref<!tpu.dma_semaphore, #tpu.memory_space<semaphore_mem>>
      %dma_start3A = arith.constant 99840 : i32
      %dma_start3A_65 = tpu.memref_slice %arg2[%dma_start3A] : memref<100000xf32, #tpu.memory_space<hbm>> -> memref<160xf32, #tpu.memory_space<hbm>>
      %dma_start3A_66 = arith.constant 99840 : i32
      %dma_start3A_67 = tpu.memref_slice %arg2[%dma_start3A_66] : memref<100000xf32, #tpu.memory_space<hbm>> -> memref<160xf32, #tpu.memory_space<hbm>>
      tpu.enqueue_dma source(%dma_start3A_67 : memref<160xf32, #tpu.memory_space<hbm>>) target(%arg8 : memref<160xf32, #tpu.memory_space<vmem>>) target_semaphore(%run_scoped3A : memref<!tpu.dma_semaphore, #tpu.memory_space<semaphore_mem>>)
      %dma_wait3A = arith.constant 99840 : i32
      %dma_wait3A_68 = tpu.memref_slice %arg2[%dma_wait3A] : memref<100000xf32, #tpu.memory_space<hbm>> -> memref<160xf32, #tpu.memory_space<hbm>>
      %dma_wait3A_69 = arith.constant 99840 : i32
      %dma_wait3A_70 = tpu.memref_slice %arg2[%dma_wait3A_69] : memref<100000xf32, #tpu.memory_space<hbm>> -> memref<160xf32, #tpu.memory_space<hbm>>
      tpu.wait_dma2 semaphore(%run_scoped3A : memref<!tpu.dma_semaphore, #tpu.memory_space<semaphore_mem>>) src(%dma_wait3A_70 : memref<160xf32, #tpu.memory_space<hbm>>) dst(%arg8 : memref<160xf32, #tpu.memory_space<vmem>>)
      tpu.yield
    }) : () -> ()
    %get3A = arith.constant 0 : index
    %get3A_2 = tpu.vector_load %arg5[%get3A] {strides = array<i32>} : memref<6240xi32, #tpu.memory_space<vmem>>, vector<16xi32>,
    %slice3A = vector.extract_strided_slice %get3A_2 {offsets = [0], sizes = [1], strides = [1]} : vector<16xi32> to vector<1xi32>
    %squeeze3A = vector.extract %slice3A[0] : i32 from vector<1xi32>
    %get3A_3 = arith.constant 144 : index
    %get3A_4 = tpu.vector_load %arg7[%get3A_3] {strides = array<i32>} : memref<160xi32, #tpu.memory_space<vmem>>, vector<16xi32>,
    %slice3A_5 = vector.extract_strided_slice %get3A_4 {offsets = [15], sizes = [1], strides = [1]} : vector<16xi32> to vector<1xi32>
    %squeeze3A_6 = vector.extract %slice3A_5[0] : i32 from vector<1xi32>
    %get3A_7 = arith.constant 6224 : index
    %get3A_8 = tpu.vector_load %arg5[%get3A_7] {strides = array<i32>} : memref<6240xi32, #tpu.memory_space<vmem>>, vector<16xi32>,
    %slice3A_9 = vector.extract_strided_slice %get3A_8 {offsets = [15], sizes = [1], strides = [1]} : vector<16xi32> to vector<1xi32>
    %squeeze3A_10 = vector.extract %slice3A_9[0] : i32 from vector<1xi32>
    %select_n3A = arith.select %eq3A_0, %squeeze3A_6, %squeeze3A_10 : i32
    %shift_right_logical3A = arith.constant 4 : i32
    %shift_right_logical3A_11 = arith.shrui %squeeze3A, %shift_right_logical3A : i32
    %shift_right_logical3A_12 = arith.constant 4 : i32
    %shift_right_logical3A_13 = arith.shrui %select_n3A, %shift_right_logical3A_12 : i32
    %sub3A = arith.subi %shift_right_logical3A_13, %shift_right_logical3A_11 : i32
    %add3A = arith.constant 1 : i32
    %add3A_14 = arith.addi %sub3A, %add3A : i32
    %broadcast_in_dim3A = arith.constant 0.000000e+00 : f32
    %broadcast_in_dim3A_15 = vector.broadcast %broadcast_in_dim3A : f32 to vector<16xf32>
    %scan3A = arith.constant 0 : i32
    %scan3A_16 = arith.constant 0 : i32
    %scan3A_17 = arith.constant 16 : i32
    %scan3A_18 = arith.addi %scan3A_16, %scan3A_17 : i32
    %scan3A_19 = arith.constant 1 : i32
    scf.for %scan3A_65 = %scan3A_16 to %scan3A_18 step %scan3A_19  : i32 {
      %mul3A_66 = arith.constant 8 : i32
      %mul3A_67 = arith.muli %scan3A_65, %mul3A_66 : i32
      %add3A_68 = arith.constant 0 : i32
      %add3A_69 = arith.addi %mul3A_67, %add3A_68 : i32
      %mul3A_70 = arith.constant 16 : i32
      %mul3A_71 = arith.muli %add3A_69, %mul3A_70 : i32
      %swap3A = arith.index_cast %mul3A_71 : i32 to index
      %swap3A_72 = tpu.vector_load %arg10[%swap3A] {strides = array<i32>} : memref<2048xf32, #tpu.memory_space<vmem>>, vector<16xf32>,
      tpu.vector_store %arg10[%swap3A], %broadcast_in_dim3A_15 {strides = array<i32>} : memref<2048xf32, #tpu.memory_space<vmem>>, vector<16xf32>,
      %mul3A_73 = arith.constant 8 : i32
      %mul3A_74 = arith.muli %scan3A_65, %mul3A_73 : i32
      %add3A_75 = arith.constant 1 : i32
      %add3A_76 = arith.addi %mul3A_74, %add3A_75 : i32
      %mul3A_77 = arith.constant 16 : i32
      %mul3A_78 = arith.muli %add3A_76, %mul3A_77 : i32
      %swap3A_79 = arith.index_cast %mul3A_78 : i32 to index
      %swap3A_80 = tpu.vector_load %arg10[%swap3A_79] {strides = array<i32>} : memref<2048xf32, #tpu.memory_space<vmem>>, vector<16xf32>,
      tpu.vector_store %arg10[%swap3A_79], %broadcast_in_dim3A_15 {strides = array<i32>} : memref<2048xf32, #tpu.memory_space<vmem>>, vector<16xf32>,
      %mul3A_81 = arith.constant 8 : i32
      %mul3A_82 = arith.muli %scan3A_65, %mul3A_81 : i32
      %add3A_83 = arith.constant 2 : i32
      %add3A_84 = arith.addi %mul3A_82, %add3A_83 : i32
      %mul3A_85 = arith.constant 16 : i32
      %mul3A_86 = arith.muli %add3A_84, %mul3A_85 : i32
      %swap3A_87 = arith.index_cast %mul3A_86 : i32 to index
      %swap3A_88 = tpu.vector_load %arg10[%swap3A_87] {strides = array<i32>} : memref<2048xf32, #tpu.memory_space<vmem>>, vector<16xf32>,
      tpu.vector_store %arg10[%swap3A_87], %broadcast_in_dim3A_15 {strides = array<i32>} : memref<2048xf32, #tpu.memory_space<vmem>>, vector<16xf32>,
      %mul3A_89 = arith.constant 8 : i32
      %mul3A_90 = arith.muli %scan3A_65, %mul3A_89 : i32
      %add3A_91 = arith.constant 3 : i32
      %add3A_92 = arith.addi %mul3A_90, %add3A_91 : i32
      %mul3A_93 = arith.constant 16 : i32
      %mul3A_94 = arith.muli %add3A_92, %mul3A_93 : i32
      %swap3A_95 = arith.index_cast %mul3A_94 : i32 to index
      %swap3A_96 = tpu.vector_load %arg10[%swap3A_95] {strides = array<i32>} : memref<2048xf32, #tpu.memory_space<vmem>>, vector<16xf32>,
      tpu.vector_store %arg10[%swap3A_95], %broadcast_in_dim3A_15 {strides = array<i32>} : memref<2048xf32, #tpu.memory_space<vmem>>, vector<16xf32>,
      %mul3A_97 = arith.constant 8 : i32
      %mul3A_98 = arith.muli %scan3A_65, %mul3A_97 : i32
      %add3A_99 = arith.constant 4 : i32
      %add3A_100 = arith.addi %mul3A_98, %add3A_99 : i32
      %mul3A_101 = arith.constant 16 : i32
      %mul3A_102 = arith.muli %add3A_100, %mul3A_101 : i32
      %swap3A_103 = arith.index_cast %mul3A_102 : i32 to index
      %swap3A_104 = tpu.vector_load %arg10[%swap3A_103] {strides = array<i32>} : memref<2048xf32, #tpu.memory_space<vmem>>, vector<16xf32>,
      tpu.vector_store %arg10[%swap3A_103], %broadcast_in_dim3A_15 {strides = array<i32>} : memref<2048xf32, #tpu.memory_space<vmem>>, vector<16xf32>,
      %mul3A_105 = arith.constant 8 : i32
      %mul3A_106 = arith.muli %scan3A_65, %mul3A_105 : i32
      %add3A_107 = arith.constant 5 : i32
      %add3A_108 = arith.addi %mul3A_106, %add3A_107 : i32
      %mul3A_109 = arith.constant 16 : i32
      %mul3A_110 = arith.muli %add3A_108, %mul3A_109 : i32
      %swap3A_111 = arith.index_cast %mul3A_110 : i32 to index
      %swap3A_112 = tpu.vector_load %arg10[%swap3A_111] {strides = array<i32>} : memref<2048xf32, #tpu.memory_space<vmem>>, vector<16xf32>,
      tpu.vector_store %arg10[%swap3A_111], %broadcast_in_dim3A_15 {strides = array<i32>} : memref<2048xf32, #tpu.memory_space<vmem>>, vector<16xf32>,
      %mul3A_113 = arith.constant 8 : i32
      %mul3A_114 = arith.muli %scan3A_65, %mul3A_113 : i32
      %add3A_115 = arith.constant 6 : i32
      %add3A_116 = arith.addi %mul3A_114, %add3A_115 : i32
      %mul3A_117 = arith.constant 16 : i32
      %mul3A_118 = arith.muli %add3A_116, %mul3A_117 : i32
      %swap3A_119 = arith.index_cast %mul3A_118 : i32 to index
      %swap3A_120 = tpu.vector_load %arg10[%swap3A_119] {strides = array<i32>} : memref<2048xf32, #tpu.memory_space<vmem>>, vector<16xf32>,
      tpu.vector_store %arg10[%swap3A_119], %broadcast_in_dim3A_15 {strides = array<i32>} : memref<2048xf32, #tpu.memory_space<vmem>>, vector<16xf32>,
      %mul3A_121 = arith.constant 8 : i32
      %mul3A_122 = arith.muli %scan3A_65, %mul3A_121 : i32
      %add3A_123 = arith.constant 7 : i32
      %add3A_124 = arith.addi %mul3A_122, %add3A_123 : i32
      %mul3A_125 = arith.constant 16 : i32
      %mul3A_126 = arith.muli %add3A_124, %mul3A_125 : i32
      %swap3A_127 = arith.index_cast %mul3A_126 : i32 to index
      %swap3A_128 = tpu.vector_load %arg10[%swap3A_127] {strides = array<i32>} : memref<2048xf32, #tpu.memory_space<vmem>>, vector<16xf32>,
      tpu.vector_store %arg10[%swap3A_127], %broadcast_in_dim3A_15 {strides = array<i32>} : memref<2048xf32, #tpu.memory_space<vmem>>, vector<16xf32>,
    }
    %scan3A_20 = arith.constant 16 : i32
    %while3A = arith.constant 0 : i32
    %while3A_21 = arith.constant 0 : i32
    %while3A_22 = arith.subi %add3A_14, %while3A_21 : i32
    %while3A_23 = arith.addi %while3A_21, %while3A_22 : i32
    %while3A_24 = arith.constant 1 : i32
    %while3A_25 = arith.divsi %while3A_22, %while3A_24 : i32
    %while3A_26 = arith.muli %while3A_25, %while3A_24 : i32
    %while3A_27 = arith.addi %while3A_21, %while3A_26 : i32
    %while3A_28 = arith.constant 1 : i32
    scf.for %while3A_65 = %while3A_21 to %while3A_27 step %while3A_28  : i32 {
      %add3A_66 = arith.addi %shift_right_logical3A_11, %while3A_65 : i32
      %mul3A_67 = arith.constant 16 : i32
      %mul3A_68 = arith.muli %add3A_66, %mul3A_67 : i32
      %add3A_69 = arith.constant 0 : i32
      %add3A_70 = arith.addi %add3A_69, %mul3A_68 : i32
      %swap3A = arith.index_cast %add3A_70 : i32 to index
      %swap3A_71 = tpu.vector_load %arg9[%swap3A] {strides = array<i32>} : memref<32784xf32, #tpu.memory_space<vmem>>, vector<16xf32>,
      tpu.vector_store %arg9[%swap3A], %broadcast_in_dim3A_15 {strides = array<i32>} : memref<32784xf32, #tpu.memory_space<vmem>>, vector<16xf32>,
      %add3A_72 = arith.addi %shift_right_logical3A_11, %while3A_65 : i32
      %mul3A_73 = arith.constant 16 : i32
      %mul3A_74 = arith.muli %add3A_72, %mul3A_73 : i32
      %add3A_75 = arith.constant 2049 : i32
      %add3A_76 = arith.addi %add3A_75, %mul3A_74 : i32
      %swap3A_77 = arith.index_cast %add3A_76 : i32 to index
      %swap3A_78 = tpu.vector_load %arg9[%swap3A_77] {strides = array<i32>} : memref<32784xf32, #tpu.memory_space<vmem>>, vector<16xf32>,
      tpu.vector_store %arg9[%swap3A_77], %broadcast_in_dim3A_15 {strides = array<i32>} : memref<32784xf32, #tpu.memory_space<vmem>>, vector<16xf32>,
      %add3A_79 = arith.addi %shift_right_logical3A_11, %while3A_65 : i32
      %mul3A_80 = arith.constant 16 : i32
      %mul3A_81 = arith.muli %add3A_79, %mul3A_80 : i32
      %add3A_82 = arith.constant 4098 : i32
      %add3A_83 = arith.addi %add3A_82, %mul3A_81 : i32
      %swap3A_84 = arith.index_cast %add3A_83 : i32 to index
      %swap3A_85 = tpu.vector_load %arg9[%swap3A_84] {strides = array<i32>} : memref<32784xf32, #tpu.memory_space<vmem>>, vector<16xf32>,
      tpu.vector_store %arg9[%swap3A_84], %broadcast_in_dim3A_15 {strides = array<i32>} : memref<32784xf32, #tpu.memory_space<vmem>>, vector<16xf32>,
      %add3A_86 = arith.addi %shift_right_logical3A_11, %while3A_65 : i32
      %mul3A_87 = arith.constant 16 : i32
      %mul3A_88 = arith.muli %add3A_86, %mul3A_87 : i32
      %add3A_89 = arith.constant 6147 : i32
      %add3A_90 = arith.addi %add3A_89, %mul3A_88 : i32
      %swap3A_91 = arith.index_cast %add3A_90 : i32 to index
      %swap3A_92 = tpu.vector_load %arg9[%swap3A_91] {strides = array<i32>} : memref<32784xf32, #tpu.memory_space<vmem>>, vector<16xf32>,
      tpu.vector_store %arg9[%swap3A_91], %broadcast_in_dim3A_15 {strides = array<i32>} : memref<32784xf32, #tpu.memory_space<vmem>>, vector<16xf32>,
      %add3A_93 = arith.addi %shift_right_logical3A_11, %while3A_65 : i32
      %mul3A_94 = arith.constant 16 : i32
      %mul3A_95 = arith.muli %add3A_93, %mul3A_94 : i32
      %add3A_96 = arith.constant 8196 : i32
      %add3A_97 = arith.addi %add3A_96, %mul3A_95 : i32
      %swap3A_98 = arith.index_cast %add3A_97 : i32 to index
      %swap3A_99 = tpu.vector_load %arg9[%swap3A_98] {strides = array<i32>} : memref<32784xf32, #tpu.memory_space<vmem>>, vector<16xf32>,
      tpu.vector_store %arg9[%swap3A_98], %broadcast_in_dim3A_15 {strides = array<i32>} : memref<32784xf32, #tpu.memory_space<vmem>>, vector<16xf32>,
      %add3A_100 = arith.addi %shift_right_logical3A_11, %while3A_65 : i32
      %mul3A_101 = arith.constant 16 : i32
      %mul3A_102 = arith.muli %add3A_100, %mul3A_101 : i32
      %add3A_103 = arith.constant 10245 : i32
      %add3A_104 = arith.addi %add3A_103, %mul3A_102 : i32
      %swap3A_105 = arith.index_cast %add3A_104 : i32 to index
      %swap3A_106 = tpu.vector_load %arg9[%swap3A_105] {strides = array<i32>} : memref<32784xf32, #tpu.memory_space<vmem>>, vector<16xf32>,
      tpu.vector_store %arg9[%swap3A_105], %broadcast_in_dim3A_15 {strides = array<i32>} : memref<32784xf32, #tpu.memory_space<vmem>>, vector<16xf32>,
      %add3A_107 = arith.addi %shift_right_logical3A_11, %while3A_65 : i32
      %mul3A_108 = arith.constant 16 : i32
      %mul3A_109 = arith.muli %add3A_107, %mul3A_108 : i32
      %add3A_110 = arith.constant 12294 : i32
      %add3A_111 = arith.addi %add3A_110, %mul3A_109 : i32
      %swap3A_112 = arith.index_cast %add3A_111 : i32 to index
      %swap3A_113 = tpu.vector_load %arg9[%swap3A_112] {strides = array<i32>} : memref<32784xf32, #tpu.memory_space<vmem>>, vector<16xf32>,
      tpu.vector_store %arg9[%swap3A_112], %broadcast_in_dim3A_15 {strides = array<i32>} : memref<32784xf32, #tpu.memory_space<vmem>>, vector<16xf32>,
      %add3A_114 = arith.addi %shift_right_logical3A_11, %while3A_65 : i32
      %mul3A_115 = arith.constant 16 : i32
      %mul3A_116 = arith.muli %add3A_114, %mul3A_115 : i32
      %add3A_117 = arith.constant 14343 : i32
      %add3A_118 = arith.addi %add3A_117, %mul3A_116 : i32
      %swap3A_119 = arith.index_cast %add3A_118 : i32 to index
      %swap3A_120 = tpu.vector_load %arg9[%swap3A_119] {strides = array<i32>} : memref<32784xf32, #tpu.memory_space<vmem>>, vector<16xf32>,
      tpu.vector_store %arg9[%swap3A_119], %broadcast_in_dim3A_15 {strides = array<i32>} : memref<32784xf32, #tpu.memory_space<vmem>>, vector<16xf32>,
      %add3A_121 = arith.addi %shift_right_logical3A_11, %while3A_65 : i32
      %mul3A_122 = arith.constant 16 : i32
      %mul3A_123 = arith.muli %add3A_121, %mul3A_122 : i32
      %add3A_124 = arith.constant 16392 : i32
      %add3A_125 = arith.addi %add3A_124, %mul3A_123 : i32
      %swap3A_126 = arith.index_cast %add3A_125 : i32 to index
      %swap3A_127 = tpu.vector_load %arg9[%swap3A_126] {strides = array<i32>} : memref<32784xf32, #tpu.memory_space<vmem>>, vector<16xf32>,
      tpu.vector_store %arg9[%swap3A_126], %broadcast_in_dim3A_15 {strides = array<i32>} : memref<32784xf32, #tpu.memory_space<vmem>>, vector<16xf32>,
      %add3A_128 = arith.addi %shift_right_logical3A_11, %while3A_65 : i32
      %mul3A_129 = arith.constant 16 : i32
      %mul3A_130 = arith.muli %add3A_128, %mul3A_129 : i32
      %add3A_131 = arith.constant 18441 : i32
      %add3A_132 = arith.addi %add3A_131, %mul3A_130 : i32
      %swap3A_133 = arith.index_cast %add3A_132 : i32 to index
      %swap3A_134 = tpu.vector_load %arg9[%swap3A_133] {strides = array<i32>} : memref<32784xf32, #tpu.memory_space<vmem>>, vector<16xf32>,
      tpu.vector_store %arg9[%swap3A_133], %broadcast_in_dim3A_15 {strides = array<i32>} : memref<32784xf32, #tpu.memory_space<vmem>>, vector<16xf32>,
      %add3A_135 = arith.addi %shift_right_logical3A_11, %while3A_65 : i32
      %mul3A_136 = arith.constant 16 : i32
      %mul3A_137 = arith.muli %add3A_135, %mul3A_136 : i32
      %add3A_138 = arith.constant 20490 : i32
      %add3A_139 = arith.addi %add3A_138, %mul3A_137 : i32
      %swap3A_140 = arith.index_cast %add3A_139 : i32 to index
      %swap3A_141 = tpu.vector_load %arg9[%swap3A_140] {strides = array<i32>} : memref<32784xf32, #tpu.memory_space<vmem>>, vector<16xf32>,
      tpu.vector_store %arg9[%swap3A_140], %broadcast_in_dim3A_15 {strides = array<i32>} : memref<32784xf32, #tpu.memory_space<vmem>>, vector<16xf32>,
      %add3A_142 = arith.addi %shift_right_logical3A_11, %while3A_65 : i32
      %mul3A_143 = arith.constant 16 : i32
      %mul3A_144 = arith.muli %add3A_142, %mul3A_143 : i32
      %add3A_145 = arith.constant 22539 : i32
      %add3A_146 = arith.addi %add3A_145, %mul3A_144 : i32
      %swap3A_147 = arith.index_cast %add3A_146 : i32 to index
      %swap3A_148 = tpu.vector_load %arg9[%swap3A_147] {strides = array<i32>} : memref<32784xf32, #tpu.memory_space<vmem>>, vector<16xf32>,
      tpu.vector_store %arg9[%swap3A_147], %broadcast_in_dim3A_15 {strides = array<i32>} : memref<32784xf32, #tpu.memory_space<vmem>>, vector<16xf32>,
      %add3A_149 = arith.addi %shift_right_logical3A_11, %while3A_65 : i32
      %mul3A_150 = arith.constant 16 : i32
      %mul3A_151 = arith.muli %add3A_149, %mul3A_150 : i32
      %add3A_152 = arith.constant 24588 : i32
      %add3A_153 = arith.addi %add3A_152, %mul3A_151 : i32
      %swap3A_154 = arith.index_cast %add3A_153 : i32 to index
      %swap3A_155 = tpu.vector_load %arg9[%swap3A_154] {strides = array<i32>} : memref<32784xf32, #tpu.memory_space<vmem>>, vector<16xf32>,
      tpu.vector_store %arg9[%swap3A_154], %broadcast_in_dim3A_15 {strides = array<i32>} : memref<32784xf32, #tpu.memory_space<vmem>>, vector<16xf32>,
      %add3A_156 = arith.addi %shift_right_logical3A_11, %while3A_65 : i32
      %mul3A_157 = arith.constant 16 : i32
      %mul3A_158 = arith.muli %add3A_156, %mul3A_157 : i32
      %add3A_159 = arith.constant 26637 : i32
      %add3A_160 = arith.addi %add3A_159, %mul3A_158 : i32
      %swap3A_161 = arith.index_cast %add3A_160 : i32 to index
      %swap3A_162 = tpu.vector_load %arg9[%swap3A_161] {strides = array<i32>} : memref<32784xf32, #tpu.memory_space<vmem>>, vector<16xf32>,
      tpu.vector_store %arg9[%swap3A_161], %broadcast_in_dim3A_15 {strides = array<i32>} : memref<32784xf32, #tpu.memory_space<vmem>>, vector<16xf32>,
      %add3A_163 = arith.addi %shift_right_logical3A_11, %while3A_65 : i32
      %mul3A_164 = arith.constant 16 : i32
      %mul3A_165 = arith.muli %add3A_163, %mul3A_164 : i32
      %add3A_166 = arith.constant 28686 : i32
      %add3A_167 = arith.addi %add3A_166, %mul3A_165 : i32
      %swap3A_168 = arith.index_cast %add3A_167 : i32 to index
      %swap3A_169 = tpu.vector_load %arg9[%swap3A_168] {strides = array<i32>} : memref<32784xf32, #tpu.memory_space<vmem>>, vector<16xf32>,
      tpu.vector_store %arg9[%swap3A_168], %broadcast_in_dim3A_15 {strides = array<i32>} : memref<32784xf32, #tpu.memory_space<vmem>>, vector<16xf32>,
      %add3A_170 = arith.addi %shift_right_logical3A_11, %while3A_65 : i32
      %mul3A_171 = arith.constant 16 : i32
      %mul3A_172 = arith.muli %add3A_170, %mul3A_171 : i32
      %add3A_173 = arith.constant 30735 : i32
      %add3A_174 = arith.addi %add3A_173, %mul3A_172 : i32
      %swap3A_175 = arith.index_cast %add3A_174 : i32 to index
      %swap3A_176 = tpu.vector_load %arg9[%swap3A_175] {strides = array<i32>} : memref<32784xf32, #tpu.memory_space<vmem>>, vector<16xf32>,
      tpu.vector_store %arg9[%swap3A_175], %broadcast_in_dim3A_15 {strides = array<i32>} : memref<32784xf32, #tpu.memory_space<vmem>>, vector<16xf32>,
    }
    %while3A_29 = arith.constant 1 : i32
    scf.for %while3A_65 = %while3A_27 to %while3A_23 step %while3A_29  : i32 {
      %add3A_66 = arith.addi %shift_right_logical3A_11, %while3A_65 : i32
      %mul3A_67 = arith.constant 16 : i32
      %mul3A_68 = arith.muli %add3A_66, %mul3A_67 : i32
      %add3A_69 = arith.constant 0 : i32
      %add3A_70 = arith.addi %add3A_69, %mul3A_68 : i32
      %swap3A = arith.index_cast %add3A_70 : i32 to index
      %swap3A_71 = tpu.vector_load %arg9[%swap3A] {strides = array<i32>} : memref<32784xf32, #tpu.memory_space<vmem>>, vector<16xf32>,
      tpu.vector_store %arg9[%swap3A], %broadcast_in_dim3A_15 {strides = array<i32>} : memref<32784xf32, #tpu.memory_space<vmem>>, vector<16xf32>,
      %add3A_72 = arith.addi %shift_right_logical3A_11, %while3A_65 : i32
      %mul3A_73 = arith.constant 16 : i32
      %mul3A_74 = arith.muli %add3A_72, %mul3A_73 : i32
      %add3A_75 = arith.constant 2049 : i32
      %add3A_76 = arith.addi %add3A_75, %mul3A_74 : i32
      %swap3A_77 = arith.index_cast %add3A_76 : i32 to index
      %swap3A_78 = tpu.vector_load %arg9[%swap3A_77] {strides = array<i32>} : memref<32784xf32, #tpu.memory_space<vmem>>, vector<16xf32>,
      tpu.vector_store %arg9[%swap3A_77], %broadcast_in_dim3A_15 {strides = array<i32>} : memref<32784xf32, #tpu.memory_space<vmem>>, vector<16xf32>,
      %add3A_79 = arith.addi %shift_right_logical3A_11, %while3A_65 : i32
      %mul3A_80 = arith.constant 16 : i32
      %mul3A_81 = arith.muli %add3A_79, %mul3A_80 : i32
      %add3A_82 = arith.constant 4098 : i32
      %add3A_83 = arith.addi %add3A_82, %mul3A_81 : i32
      %swap3A_84 = arith.index_cast %add3A_83 : i32 to index
      %swap3A_85 = tpu.vector_load %arg9[%swap3A_84] {strides = array<i32>} : memref<32784xf32, #tpu.memory_space<vmem>>, vector<16xf32>,
      tpu.vector_store %arg9[%swap3A_84], %broadcast_in_dim3A_15 {strides = array<i32>} : memref<32784xf32, #tpu.memory_space<vmem>>, vector<16xf32>,
      %add3A_86 = arith.addi %shift_right_logical3A_11, %while3A_65 : i32
      %mul3A_87 = arith.constant 16 : i32
      %mul3A_88 = arith.muli %add3A_86, %mul3A_87 : i32
      %add3A_89 = arith.constant 6147 : i32
      %add3A_90 = arith.addi %add3A_89, %mul3A_88 : i32
      %swap3A_91 = arith.index_cast %add3A_90 : i32 to index
      %swap3A_92 = tpu.vector_load %arg9[%swap3A_91] {strides = array<i32>} : memref<32784xf32, #tpu.memory_space<vmem>>, vector<16xf32>,
      tpu.vector_store %arg9[%swap3A_91], %broadcast_in_dim3A_15 {strides = array<i32>} : memref<32784xf32, #tpu.memory_space<vmem>>, vector<16xf32>,
      %add3A_93 = arith.addi %shift_right_logical3A_11, %while3A_65 : i32
      %mul3A_94 = arith.constant 16 : i32
      %mul3A_95 = arith.muli %add3A_93, %mul3A_94 : i32
      %add3A_96 = arith.constant 8196 : i32
      %add3A_97 = arith.addi %add3A_96, %mul3A_95 : i32
      %swap3A_98 = arith.index_cast %add3A_97 : i32 to index
      %swap3A_99 = tpu.vector_load %arg9[%swap3A_98] {strides = array<i32>} : memref<32784xf32, #tpu.memory_space<vmem>>, vector<16xf32>,
      tpu.vector_store %arg9[%swap3A_98], %broadcast_in_dim3A_15 {strides = array<i32>} : memref<32784xf32, #tpu.memory_space<vmem>>, vector<16xf32>,
      %add3A_100 = arith.addi %shift_right_logical3A_11, %while3A_65 : i32
      %mul3A_101 = arith.constant 16 : i32
      %mul3A_102 = arith.muli %add3A_100, %mul3A_101 : i32
      %add3A_103 = arith.constant 10245 : i32
      %add3A_104 = arith.addi %add3A_103, %mul3A_102 : i32
      %swap3A_105 = arith.index_cast %add3A_104 : i32 to index
      %swap3A_106 = tpu.vector_load %arg9[%swap3A_105] {strides = array<i32>} : memref<32784xf32, #tpu.memory_space<vmem>>, vector<16xf32>,
      tpu.vector_store %arg9[%swap3A_105], %broadcast_in_dim3A_15 {strides = array<i32>} : memref<32784xf32, #tpu.memory_space<vmem>>, vector<16xf32>,
      %add3A_107 = arith.addi %shift_right_logical3A_11, %while3A_65 : i32
      %mul3A_108 = arith.constant 16 : i32
      %mul3A_109 = arith.muli %add3A_107, %mul3A_108 : i32
      %add3A_110 = arith.constant 12294 : i32
      %add3A_111 = arith.addi %add3A_110, %mul3A_109 : i32
      %swap3A_112 = arith.index_cast %add3A_111 : i32 to index
      %swap3A_113 = tpu.vector_load %arg9[%swap3A_112] {strides = array<i32>} : memref<32784xf32, #tpu.memory_space<vmem>>, vector<16xf32>,
      tpu.vector_store %arg9[%swap3A_112], %broadcast_in_dim3A_15 {strides = array<i32>} : memref<32784xf32, #tpu.memory_space<vmem>>, vector<16xf32>,
      %add3A_114 = arith.addi %shift_right_logical3A_11, %while3A_65 : i32
      %mul3A_115 = arith.constant 16 : i32
      %mul3A_116 = arith.muli %add3A_114, %mul3A_115 : i32
      %add3A_117 = arith.constant 14343 : i32
      %add3A_118 = arith.addi %add3A_117, %mul3A_116 : i32
      %swap3A_119 = arith.index_cast %add3A_118 : i32 to index
      %swap3A_120 = tpu.vector_load %arg9[%swap3A_119] {strides = array<i32>} : memref<32784xf32, #tpu.memory_space<vmem>>, vector<16xf32>,
      tpu.vector_store %arg9[%swap3A_119], %broadcast_in_dim3A_15 {strides = array<i32>} : memref<32784xf32, #tpu.memory_space<vmem>>, vector<16xf32>,
      %add3A_121 = arith.addi %shift_right_logical3A_11, %while3A_65 : i32
      %mul3A_122 = arith.constant 16 : i32
      %mul3A_123 = arith.muli %add3A_121, %mul3A_122 : i32
      %add3A_124 = arith.constant 16392 : i32
      %add3A_125 = arith.addi %add3A_124, %mul3A_123 : i32
      %swap3A_126 = arith.index_cast %add3A_125 : i32 to index
      %swap3A_127 = tpu.vector_load %arg9[%swap3A_126] {strides = array<i32>} : memref<32784xf32, #tpu.memory_space<vmem>>, vector<16xf32>,
      tpu.vector_store %arg9[%swap3A_126], %broadcast_in_dim3A_15 {strides = array<i32>} : memref<32784xf32, #tpu.memory_space<vmem>>, vector<16xf32>,
      %add3A_128 = arith.addi %shift_right_logical3A_11, %while3A_65 : i32
      %mul3A_129 = arith.constant 16 : i32
      %mul3A_130 = arith.muli %add3A_128, %mul3A_129 : i32
      %add3A_131 = arith.constant 18441 : i32
      %add3A_132 = arith.addi %add3A_131, %mul3A_130 : i32
      %swap3A_133 = arith.index_cast %add3A_132 : i32 to index
      %swap3A_134 = tpu.vector_load %arg9[%swap3A_133] {strides = array<i32>} : memref<32784xf32, #tpu.memory_space<vmem>>, vector<16xf32>,
      tpu.vector_store %arg9[%swap3A_133], %broadcast_in_dim3A_15 {strides = array<i32>} : memref<32784xf32, #tpu.memory_space<vmem>>, vector<16xf32>,
      %add3A_135 = arith.addi %shift_right_logical3A_11, %while3A_65 : i32
      %mul3A_136 = arith.constant 16 : i32
      %mul3A_137 = arith.muli %add3A_135, %mul3A_136 : i32
      %add3A_138 = arith.constant 20490 : i32
      %add3A_139 = arith.addi %add3A_138, %mul3A_137 : i32
      %swap3A_140 = arith.index_cast %add3A_139 : i32 to index
      %swap3A_141 = tpu.vector_load %arg9[%swap3A_140] {strides = array<i32>} : memref<32784xf32, #tpu.memory_space<vmem>>, vector<16xf32>,
      tpu.vector_store %arg9[%swap3A_140], %broadcast_in_dim3A_15 {strides = array<i32>} : memref<32784xf32, #tpu.memory_space<vmem>>, vector<16xf32>,
      %add3A_142 = arith.addi %shift_right_logical3A_11, %while3A_65 : i32
      %mul3A_143 = arith.constant 16 : i32
      %mul3A_144 = arith.muli %add3A_142, %mul3A_143 : i32
      %add3A_145 = arith.constant 22539 : i32
      %add3A_146 = arith.addi %add3A_145, %mul3A_144 : i32
      %swap3A_147 = arith.index_cast %add3A_146 : i32 to index
      %swap3A_148 = tpu.vector_load %arg9[%swap3A_147] {strides = array<i32>} : memref<32784xf32, #tpu.memory_space<vmem>>, vector<16xf32>,
      tpu.vector_store %arg9[%swap3A_147], %broadcast_in_dim3A_15 {strides = array<i32>} : memref<32784xf32, #tpu.memory_space<vmem>>, vector<16xf32>,
      %add3A_149 = arith.addi %shift_right_logical3A_11, %while3A_65 : i32
      %mul3A_150 = arith.constant 16 : i32
      %mul3A_151 = arith.muli %add3A_149, %mul3A_150 : i32
      %add3A_152 = arith.constant 24588 : i32
      %add3A_153 = arith.addi %add3A_152, %mul3A_151 : i32
      %swap3A_154 = arith.index_cast %add3A_153 : i32 to index
      %swap3A_155 = tpu.vector_load %arg9[%swap3A_154] {strides = array<i32>} : memref<32784xf32, #tpu.memory_space<vmem>>, vector<16xf32>,
      tpu.vector_store %arg9[%swap3A_154], %broadcast_in_dim3A_15 {strides = array<i32>} : memref<32784xf32, #tpu.memory_space<vmem>>, vector<16xf32>,
      %add3A_156 = arith.addi %shift_right_logical3A_11, %while3A_65 : i32
      %mul3A_157 = arith.constant 16 : i32
      %mul3A_158 = arith.muli %add3A_156, %mul3A_157 : i32
      %add3A_159 = arith.constant 26637 : i32
      %add3A_160 = arith.addi %add3A_159, %mul3A_158 : i32
      %swap3A_161 = arith.index_cast %add3A_160 : i32 to index
      %swap3A_162 = tpu.vector_load %arg9[%swap3A_161] {strides = array<i32>} : memref<32784xf32, #tpu.memory_space<vmem>>, vector<16xf32>,
      tpu.vector_store %arg9[%swap3A_161], %broadcast_in_dim3A_15 {strides = array<i32>} : memref<32784xf32, #tpu.memory_space<vmem>>, vector<16xf32>,
      %add3A_163 = arith.addi %shift_right_logical3A_11, %while3A_65 : i32
      %mul3A_164 = arith.constant 16 : i32
      %mul3A_165 = arith.muli %add3A_163, %mul3A_164 : i32
      %add3A_166 = arith.constant 28686 : i32
      %add3A_167 = arith.addi %add3A_166, %mul3A_165 : i32
      %swap3A_168 = arith.index_cast %add3A_167 : i32 to index
      %swap3A_169 = tpu.vector_load %arg9[%swap3A_168] {strides = array<i32>} : memref<32784xf32, #tpu.memory_space<vmem>>, vector<16xf32>,
      tpu.vector_store %arg9[%swap3A_168], %broadcast_in_dim3A_15 {strides = array<i32>} : memref<32784xf32, #tpu.memory_space<vmem>>, vector<16xf32>,
      %add3A_170 = arith.addi %shift_right_logical3A_11, %while3A_65 : i32
      %mul3A_171 = arith.constant 16 : i32
      %mul3A_172 = arith.muli %add3A_170, %mul3A_171 : i32
      %add3A_173 = arith.constant 30735 : i32
      %add3A_174 = arith.addi %add3A_173, %mul3A_172 : i32
      %swap3A_175 = arith.index_cast %add3A_174 : i32 to index
      %swap3A_176 = tpu.vector_load %arg9[%swap3A_175] {strides = array<i32>} : memref<32784xf32, #tpu.memory_space<vmem>>, vector<16xf32>,
      tpu.vector_store %arg9[%swap3A_175], %broadcast_in_dim3A_15 {strides = array<i32>} : memref<32784xf32, #tpu.memory_space<vmem>>, vector<16xf32>,
    }
    %iota3A = tpu.iota {dimensions = array<i32: 0>} : vector<16xi32>
    %mul3A_30 = arith.constant 2049 : i32
    %mul3A_31 = vector.broadcast %mul3A_30 : i32 to vector<16xi32>
    %mul3A_32 = arith.muli %iota3A, %mul3A_31 : vector<16xi32>
    %scan3A_33 = arith.constant 0 : i32
    %scan3A_34 = arith.constant 0 : i32
    %scan3A_35 = arith.constant 39 : i32
    %scan3A_36 = arith.addi %scan3A_34, %scan3A_35 : i32
    %scan3A_37 = arith.constant 1 : i32
    scf.for %scan3A_65 = %scan3A_34 to %scan3A_36 step %scan3A_37  : i32 {
      %mul3A_66 = arith.constant 10 : i32
      %mul3A_67 = arith.muli %scan3A_65, %mul3A_66 : i32
      %add3A_68 = arith.constant 0 : i32
      %add3A_69 = arith.addi %mul3A_67, %add3A_68 : i32
      %mul3A_70 = arith.constant 16 : i32
      %mul3A_71 = arith.muli %add3A_69, %mul3A_70 : i32
      %get3A_72 = arith.index_cast %mul3A_71 : i32 to index
      %get3A_73 = tpu.vector_load %arg5[%get3A_72] {strides = array<i32>} : memref<6240xi32, #tpu.memory_space<vmem>>, vector<16xi32>,
      %mul3A_74 = arith.constant 10 : i32
      %mul3A_75 = arith.muli %scan3A_65, %mul3A_74 : i32
      %add3A_76 = arith.constant 0 : i32
      %add3A_77 = arith.addi %mul3A_75, %add3A_76 : i32
      %mul3A_78 = arith.constant 16 : i32
      %mul3A_79 = arith.muli %add3A_77, %mul3A_78 : i32
      %get3A_80 = arith.index_cast %mul3A_79 : i32 to index
      %get3A_81 = tpu.vector_load %arg6[%get3A_80] {strides = array<i32>} : memref<6240xf32, #tpu.memory_space<vmem>>, vector<16xf32>,
      %add3A_82 = arith.addi %get3A_73, %mul3A_32 : vector<16xi32>
      tpu.vector_store_idx %arg9[%add3A_82], %get3A_81 {add = true} : memref<32784xf32, #tpu.memory_space<vmem>>[vector<16xi32>], vector<16xf32>,
      %mul3A_83 = arith.constant 10 : i32
      %mul3A_84 = arith.muli %scan3A_65, %mul3A_83 : i32
      %add3A_85 = arith.constant 1 : i32
      %add3A_86 = arith.addi %mul3A_84, %add3A_85 : i32
      %mul3A_87 = arith.constant 16 : i32
      %mul3A_88 = arith.muli %add3A_86, %mul3A_87 : i32
      %get3A_89 = arith.index_cast %mul3A_88 : i32 to index
      %get3A_90 = tpu.vector_load %arg5[%get3A_89] {strides = array<i32>} : memref<6240xi32, #tpu.memory_space<vmem>>, vector<16xi32>,
      %mul3A_91 = arith.constant 10 : i32
      %mul3A_92 = arith.muli %scan3A_65, %mul3A_91 : i32
      %add3A_93 = arith.constant 1 : i32
      %add3A_94 = arith.addi %mul3A_92, %add3A_93 : i32
      %mul3A_95 = arith.constant 16 : i32
      %mul3A_96 = arith.muli %add3A_94, %mul3A_95 : i32
      %get3A_97 = arith.index_cast %mul3A_96 : i32 to index
      %get3A_98 = tpu.vector_load %arg6[%get3A_97] {strides = array<i32>} : memref<6240xf32, #tpu.memory_space<vmem>>, vector<16xf32>,
      %add3A_99 = arith.addi %get3A_90, %mul3A_32 : vector<16xi32>
      tpu.vector_store_idx %arg9[%add3A_99], %get3A_98 {add = true} : memref<32784xf32, #tpu.memory_space<vmem>>[vector<16xi32>], vector<16xf32>,
      %mul3A_100 = arith.constant 10 : i32
      %mul3A_101 = arith.muli %scan3A_65, %mul3A_100 : i32
      %add3A_102 = arith.constant 2 : i32
      %add3A_103 = arith.addi %mul3A_101, %add3A_102 : i32
      %mul3A_104 = arith.constant 16 : i32
      %mul3A_105 = arith.muli %add3A_103, %mul3A_104 : i32
      %get3A_106 = arith.index_cast %mul3A_105 : i32 to index
      %get3A_107 = tpu.vector_load %arg5[%get3A_106] {strides = array<i32>} : memref<6240xi32, #tpu.memory_space<vmem>>, vector<16xi32>,
      %mul3A_108 = arith.constant 10 : i32
      %mul3A_109 = arith.muli %scan3A_65, %mul3A_108 : i32
      %add3A_110 = arith.constant 2 : i32
      %add3A_111 = arith.addi %mul3A_109, %add3A_110 : i32
      %mul3A_112 = arith.constant 16 : i32
      %mul3A_113 = arith.muli %add3A_111, %mul3A_112 : i32
      %get3A_114 = arith.index_cast %mul3A_113 : i32 to index
      %get3A_115 = tpu.vector_load %arg6[%get3A_114] {strides = array<i32>} : memref<6240xf32, #tpu.memory_space<vmem>>, vector<16xf32>,
      %add3A_116 = arith.addi %get3A_107, %mul3A_32 : vector<16xi32>
      tpu.vector_store_idx %arg9[%add3A_116], %get3A_115 {add = true} : memref<32784xf32, #tpu.memory_space<vmem>>[vector<16xi32>], vector<16xf32>,
      %mul3A_117 = arith.constant 10 : i32
      %mul3A_118 = arith.muli %scan3A_65, %mul3A_117 : i32
      %add3A_119 = arith.constant 3 : i32
      %add3A_120 = arith.addi %mul3A_118, %add3A_119 : i32
      %mul3A_121 = arith.constant 16 : i32
      %mul3A_122 = arith.muli %add3A_120, %mul3A_121 : i32
      %get3A_123 = arith.index_cast %mul3A_122 : i32 to index
      %get3A_124 = tpu.vector_load %arg5[%get3A_123] {strides = array<i32>} : memref<6240xi32, #tpu.memory_space<vmem>>, vector<16xi32>,
      %mul3A_125 = arith.constant 10 : i32
      %mul3A_126 = arith.muli %scan3A_65, %mul3A_125 : i32
      %add3A_127 = arith.constant 3 : i32
      %add3A_128 = arith.addi %mul3A_126, %add3A_127 : i32
      %mul3A_129 = arith.constant 16 : i32
      %mul3A_130 = arith.muli %add3A_128, %mul3A_129 : i32
      %get3A_131 = arith.index_cast %mul3A_130 : i32 to index
      %get3A_132 = tpu.vector_load %arg6[%get3A_131] {strides = array<i32>} : memref<6240xf32, #tpu.memory_space<vmem>>, vector<16xf32>,
      %add3A_133 = arith.addi %get3A_124, %mul3A_32 : vector<16xi32>
      tpu.vector_store_idx %arg9[%add3A_133], %get3A_132 {add = true} : memref<32784xf32, #tpu.memory_space<vmem>>[vector<16xi32>], vector<16xf32>,
      %mul3A_134 = arith.constant 10 : i32
      %mul3A_135 = arith.muli %scan3A_65, %mul3A_134 : i32
      %add3A_136 = arith.constant 4 : i32
      %add3A_137 = arith.addi %mul3A_135, %add3A_136 : i32
      %mul3A_138 = arith.constant 16 : i32
      %mul3A_139 = arith.muli %add3A_137, %mul3A_138 : i32
      %get3A_140 = arith.index_cast %mul3A_139 : i32 to index
      %get3A_141 = tpu.vector_load %arg5[%get3A_140] {strides = array<i32>} : memref<6240xi32, #tpu.memory_space<vmem>>, vector<16xi32>,
      %mul3A_142 = arith.constant 10 : i32
      %mul3A_143 = arith.muli %scan3A_65, %mul3A_142 : i32
      %add3A_144 = arith.constant 4 : i32
      %add3A_145 = arith.addi %mul3A_143, %add3A_144 : i32
      %mul3A_146 = arith.constant 16 : i32
      %mul3A_147 = arith.muli %add3A_145, %mul3A_146 : i32
      %get3A_148 = arith.index_cast %mul3A_147 : i32 to index
      %get3A_149 = tpu.vector_load %arg6[%get3A_148] {strides = array<i32>} : memref<6240xf32, #tpu.memory_space<vmem>>, vector<16xf32>,
      %add3A_150 = arith.addi %get3A_141, %mul3A_32 : vector<16xi32>
      tpu.vector_store_idx %arg9[%add3A_150], %get3A_149 {add = true} : memref<32784xf32, #tpu.memory_space<vmem>>[vector<16xi32>], vector<16xf32>,
      %mul3A_151 = arith.constant 10 : i32
      %mul3A_152 = arith.muli %scan3A_65, %mul3A_151 : i32
      %add3A_153 = arith.constant 5 : i32
      %add3A_154 = arith.addi %mul3A_152, %add3A_153 : i32
      %mul3A_155 = arith.constant 16 : i32
      %mul3A_156 = arith.muli %add3A_154, %mul3A_155 : i32
      %get3A_157 = arith.index_cast %mul3A_156 : i32 to index
      %get3A_158 = tpu.vector_load %arg5[%get3A_157] {strides = array<i32>} : memref<6240xi32, #tpu.memory_space<vmem>>, vector<16xi32>,
      %mul3A_159 = arith.constant 10 : i32
      %mul3A_160 = arith.muli %scan3A_65, %mul3A_159 : i32
      %add3A_161 = arith.constant 5 : i32
      %add3A_162 = arith.addi %mul3A_160, %add3A_161 : i32
      %mul3A_163 = arith.constant 16 : i32
      %mul3A_164 = arith.muli %add3A_162, %mul3A_163 : i32
      %get3A_165 = arith.index_cast %mul3A_164 : i32 to index
      %get3A_166 = tpu.vector_load %arg6[%get3A_165] {strides = array<i32>} : memref<6240xf32, #tpu.memory_space<vmem>>, vector<16xf32>,
      %add3A_167 = arith.addi %get3A_158, %mul3A_32 : vector<16xi32>
      tpu.vector_store_idx %arg9[%add3A_167], %get3A_166 {add = true} : memref<32784xf32, #tpu.memory_space<vmem>>[vector<16xi32>], vector<16xf32>,
      %mul3A_168 = arith.constant 10 : i32
      %mul3A_169 = arith.muli %scan3A_65, %mul3A_168 : i32
      %add3A_170 = arith.constant 6 : i32
      %add3A_171 = arith.addi %mul3A_169, %add3A_170 : i32
      %mul3A_172 = arith.constant 16 : i32
      %mul3A_173 = arith.muli %add3A_171, %mul3A_172 : i32
      %get3A_174 = arith.index_cast %mul3A_173 : i32 to index
      %get3A_175 = tpu.vector_load %arg5[%get3A_174] {strides = array<i32>} : memref<6240xi32, #tpu.memory_space<vmem>>, vector<16xi32>,
      %mul3A_176 = arith.constant 10 : i32
      %mul3A_177 = arith.muli %scan3A_65, %mul3A_176 : i32
      %add3A_178 = arith.constant 6 : i32
      %add3A_179 = arith.addi %mul3A_177, %add3A_178 : i32
      %mul3A_180 = arith.constant 16 : i32
      %mul3A_181 = arith.muli %add3A_179, %mul3A_180 : i32
      %get3A_182 = arith.index_cast %mul3A_181 : i32 to index
      %get3A_183 = tpu.vector_load %arg6[%get3A_182] {strides = array<i32>} : memref<6240xf32, #tpu.memory_space<vmem>>, vector<16xf32>,
      %add3A_184 = arith.addi %get3A_175, %mul3A_32 : vector<16xi32>
      tpu.vector_store_idx %arg9[%add3A_184], %get3A_183 {add = true} : memref<32784xf32, #tpu.memory_space<vmem>>[vector<16xi32>], vector<16xf32>,
      %mul3A_185 = arith.constant 10 : i32
      %mul3A_186 = arith.muli %scan3A_65, %mul3A_185 : i32
      %add3A_187 = arith.constant 7 : i32
      %add3A_188 = arith.addi %mul3A_186, %add3A_187 : i32
      %mul3A_189 = arith.constant 16 : i32
      %mul3A_190 = arith.muli %add3A_188, %mul3A_189 : i32
      %get3A_191 = arith.index_cast %mul3A_190 : i32 to index
      %get3A_192 = tpu.vector_load %arg5[%get3A_191] {strides = array<i32>} : memref<6240xi32, #tpu.memory_space<vmem>>, vector<16xi32>,
      %mul3A_193 = arith.constant 10 : i32
      %mul3A_194 = arith.muli %scan3A_65, %mul3A_193 : i32
      %add3A_195 = arith.constant 7 : i32
      %add3A_196 = arith.addi %mul3A_194, %add3A_195 : i32
      %mul3A_197 = arith.constant 16 : i32
      %mul3A_198 = arith.muli %add3A_196, %mul3A_197 : i32
      %get3A_199 = arith.index_cast %mul3A_198 : i32 to index
      %get3A_200 = tpu.vector_load %arg6[%get3A_199] {strides = array<i32>} : memref<6240xf32, #tpu.memory_space<vmem>>, vector<16xf32>,
      %add3A_201 = arith.addi %get3A_192, %mul3A_32 : vector<16xi32>
      tpu.vector_store_idx %arg9[%add3A_201], %get3A_200 {add = true} : memref<32784xf32, #tpu.memory_space<vmem>>[vector<16xi32>], vector<16xf32>,
      %mul3A_202 = arith.constant 10 : i32
      %mul3A_203 = arith.muli %scan3A_65, %mul3A_202 : i32
      %add3A_204 = arith.constant 8 : i32
      %add3A_205 = arith.addi %mul3A_203, %add3A_204 : i32
      %mul3A_206 = arith.constant 16 : i32
      %mul3A_207 = arith.muli %add3A_205, %mul3A_206 : i32
      %get3A_208 = arith.index_cast %mul3A_207 : i32 to index
      %get3A_209 = tpu.vector_load %arg5[%get3A_208] {strides = array<i32>} : memref<6240xi32, #tpu.memory_space<vmem>>, vector<16xi32>,
      %mul3A_210 = arith.constant 10 : i32
      %mul3A_211 = arith.muli %scan3A_65, %mul3A_210 : i32
      %add3A_212 = arith.constant 8 : i32
      %add3A_213 = arith.addi %mul3A_211, %add3A_212 : i32
      %mul3A_214 = arith.constant 16 : i32
      %mul3A_215 = arith.muli %add3A_213, %mul3A_214 : i32
      %get3A_216 = arith.index_cast %mul3A_215 : i32 to index
      %get3A_217 = tpu.vector_load %arg6[%get3A_216] {strides = array<i32>} : memref<6240xf32, #tpu.memory_space<vmem>>, vector<16xf32>,
      %add3A_218 = arith.addi %get3A_209, %mul3A_32 : vector<16xi32>
      tpu.vector_store_idx %arg9[%add3A_218], %get3A_217 {add = true} : memref<32784xf32, #tpu.memory_space<vmem>>[vector<16xi32>], vector<16xf32>,
      %mul3A_219 = arith.constant 10 : i32
      %mul3A_220 = arith.muli %scan3A_65, %mul3A_219 : i32
      %add3A_221 = arith.constant 9 : i32
      %add3A_222 = arith.addi %mul3A_220, %add3A_221 : i32
      %mul3A_223 = arith.constant 16 : i32
      %mul3A_224 = arith.muli %add3A_222, %mul3A_223 : i32
      %get3A_225 = arith.index_cast %mul3A_224 : i32 to index
      %get3A_226 = tpu.vector_load %arg5[%get3A_225] {strides = array<i32>} : memref<6240xi32, #tpu.memory_space<vmem>>, vector<16xi32>,
      %mul3A_227 = arith.constant 10 : i32
      %mul3A_228 = arith.muli %scan3A_65, %mul3A_227 : i32
      %add3A_229 = arith.constant 9 : i32
      %add3A_230 = arith.addi %mul3A_228, %add3A_229 : i32
      %mul3A_231 = arith.constant 16 : i32
      %mul3A_232 = arith.muli %add3A_230, %mul3A_231 : i32
      %get3A_233 = arith.index_cast %mul3A_232 : i32 to index
      %get3A_234 = tpu.vector_load %arg6[%get3A_233] {strides = array<i32>} : memref<6240xf32, #tpu.memory_space<vmem>>, vector<16xf32>,
      %add3A_235 = arith.addi %get3A_226, %mul3A_32 : vector<16xi32>
      tpu.vector_store_idx %arg9[%add3A_235], %get3A_234 {add = true} : memref<32784xf32, #tpu.memory_space<vmem>>[vector<16xi32>], vector<16xf32>,
    }
    %scan3A_38 = arith.constant 39 : i32
    %convert_element_type3A = arith.extui %eq3A_0 : i1 to i32
    %cond3A = arith.constant 0 : i32
    %cond3A_39 = arith.cmpi ne, %convert_element_type3A, %cond3A : i32
    scf.if %cond3A_39 {
      %scan3A_65 = arith.constant 0 : i32
      %scan3A_66 = arith.constant 0 : i32
      %scan3A_67 = arith.constant 10 : i32
      %scan3A_68 = arith.addi %scan3A_66, %scan3A_67 : i32
      %scan3A_69 = arith.constant 1 : i32
      scf.for %scan3A_71 = %scan3A_66 to %scan3A_68 step %scan3A_69  : i32 {
        %mul3A_72 = arith.constant 16 : i32
        %mul3A_73 = arith.muli %scan3A_71, %mul3A_72 : i32
        %get3A_74 = arith.index_cast %mul3A_73 : i32 to index
        %get3A_75 = tpu.vector_load %arg7[%get3A_74] {strides = array<i32>} : memref<160xi32, #tpu.memory_space<vmem>>, vector<16xi32>,
        %mul3A_76 = arith.constant 16 : i32
        %mul3A_77 = arith.muli %scan3A_71, %mul3A_76 : i32
        %get3A_78 = arith.index_cast %mul3A_77 : i32 to index
        %get3A_79 = tpu.vector_load %arg8[%get3A_78] {strides = array<i32>} : memref<160xf32, #tpu.memory_space<vmem>>, vector<16xf32>,
        %add3A_80 = arith.addi %get3A_75, %mul3A_32 : vector<16xi32>
        tpu.vector_store_idx %arg9[%add3A_80], %get3A_79 {add = true} : memref<32784xf32, #tpu.memory_space<vmem>>[vector<16xi32>], vector<16xf32>,
      }
      %scan3A_70 = arith.constant 10 : i32
    } else {
    }
    %while3A_40 = arith.constant 0 : i32
    %while3A_41 = arith.constant 0 : i32
    %while3A_42 = arith.subi %add3A_14, %while3A_41 : i32
    %while3A_43 = arith.addi %while3A_41, %while3A_42 : i32
    %while3A_44 = arith.constant 1 : i32
    %while3A_45 = arith.divsi %while3A_42, %while3A_44 : i32
    %while3A_46 = arith.muli %while3A_45, %while3A_44 : i32
    %while3A_47 = arith.addi %while3A_41, %while3A_46 : i32
    %while3A_48 = arith.constant 1 : i32
    scf.for %while3A_65 = %while3A_41 to %while3A_47 step %while3A_48  : i32 {
      %add3A_66 = arith.addi %shift_right_logical3A_11, %while3A_65 : i32
      %mul3A_67 = arith.constant 16 : i32
      %mul3A_68 = arith.muli %add3A_66, %mul3A_67 : i32
      %get3A_69 = arith.index_cast %mul3A_68 : i32 to index
      %get3A_70 = tpu.vector_load %arg9[%get3A_69] {strides = array<i32>} : memref<32784xf32, #tpu.memory_space<vmem>>, vector<16xf32>,
      %add3A_71 = arith.addi %shift_right_logical3A_11, %while3A_65 : i32
      %mul3A_72 = arith.constant 16 : i32
      %mul3A_73 = arith.muli %add3A_71, %mul3A_72 : i32
      %add3A_74 = arith.constant 2049 : i32
      %add3A_75 = arith.addi %add3A_74, %mul3A_73 : i32
      %get3A_76 = arith.index_cast %add3A_75 : i32 to index
      %get3A_77 = tpu.vector_load %arg9[%get3A_76] {strides = array<i32>} : memref<32784xf32, #tpu.memory_space<vmem>>, vector<16xf32>,
      %add3A_78 = arith.addf %get3A_70, %get3A_77 : vector<16xf32>
      %add3A_79 = arith.addi %shift_right_logical3A_11, %while3A_65 : i32
      %mul3A_80 = arith.constant 16 : i32
      %mul3A_81 = arith.muli %add3A_79, %mul3A_80 : i32
      %add3A_82 = arith.constant 4098 : i32
      %add3A_83 = arith.addi %add3A_82, %mul3A_81 : i32
      %get3A_84 = arith.index_cast %add3A_83 : i32 to index
      %get3A_85 = tpu.vector_load %arg9[%get3A_84] {strides = array<i32>} : memref<32784xf32, #tpu.memory_space<vmem>>, vector<16xf32>,
      %add3A_86 = arith.addf %add3A_78, %get3A_85 : vector<16xf32>
      %add3A_87 = arith.addi %shift_right_logical3A_11, %while3A_65 : i32
      %mul3A_88 = arith.constant 16 : i32
      %mul3A_89 = arith.muli %add3A_87, %mul3A_88 : i32
      %add3A_90 = arith.constant 6147 : i32
      %add3A_91 = arith.addi %add3A_90, %mul3A_89 : i32
      %get3A_92 = arith.index_cast %add3A_91 : i32 to index
      %get3A_93 = tpu.vector_load %arg9[%get3A_92] {strides = array<i32>} : memref<32784xf32, #tpu.memory_space<vmem>>, vector<16xf32>,
      %add3A_94 = arith.addf %add3A_86, %get3A_93 : vector<16xf32>
      %add3A_95 = arith.addi %shift_right_logical3A_11, %while3A_65 : i32
      %mul3A_96 = arith.constant 16 : i32
      %mul3A_97 = arith.muli %add3A_95, %mul3A_96 : i32
      %add3A_98 = arith.constant 8196 : i32
      %add3A_99 = arith.addi %add3A_98, %mul3A_97 : i32
      %get3A_100 = arith.index_cast %add3A_99 : i32 to index
      %get3A_101 = tpu.vector_load %arg9[%get3A_100] {strides = array<i32>} : memref<32784xf32, #tpu.memory_space<vmem>>, vector<16xf32>,
      %add3A_102 = arith.addf %add3A_94, %get3A_101 : vector<16xf32>
      %add3A_103 = arith.addi %shift_right_logical3A_11, %while3A_65 : i32
      %mul3A_104 = arith.constant 16 : i32
      %mul3A_105 = arith.muli %add3A_103, %mul3A_104 : i32
      %add3A_106 = arith.constant 10245 : i32
      %add3A_107 = arith.addi %add3A_106, %mul3A_105 : i32
      %get3A_108 = arith.index_cast %add3A_107 : i32 to index
      %get3A_109 = tpu.vector_load %arg9[%get3A_108] {strides = array<i32>} : memref<32784xf32, #tpu.memory_space<vmem>>, vector<16xf32>,
      %add3A_110 = arith.addf %add3A_102, %get3A_109 : vector<16xf32>
      %add3A_111 = arith.addi %shift_right_logical3A_11, %while3A_65 : i32
      %mul3A_112 = arith.constant 16 : i32
      %mul3A_113 = arith.muli %add3A_111, %mul3A_112 : i32
      %add3A_114 = arith.constant 12294 : i32
      %add3A_115 = arith.addi %add3A_114, %mul3A_113 : i32
      %get3A_116 = arith.index_cast %add3A_115 : i32 to index
      %get3A_117 = tpu.vector_load %arg9[%get3A_116] {strides = array<i32>} : memref<32784xf32, #tpu.memory_space<vmem>>, vector<16xf32>,
      %add3A_118 = arith.addf %add3A_110, %get3A_117 : vector<16xf32>
      %add3A_119 = arith.addi %shift_right_logical3A_11, %while3A_65 : i32
      %mul3A_120 = arith.constant 16 : i32
      %mul3A_121 = arith.muli %add3A_119, %mul3A_120 : i32
      %add3A_122 = arith.constant 14343 : i32
      %add3A_123 = arith.addi %add3A_122, %mul3A_121 : i32
      %get3A_124 = arith.index_cast %add3A_123 : i32 to index
      %get3A_125 = tpu.vector_load %arg9[%get3A_124] {strides = array<i32>} : memref<32784xf32, #tpu.memory_space<vmem>>, vector<16xf32>,
      %add3A_126 = arith.addf %add3A_118, %get3A_125 : vector<16xf32>
      %add3A_127 = arith.addi %shift_right_logical3A_11, %while3A_65 : i32
      %mul3A_128 = arith.constant 16 : i32
      %mul3A_129 = arith.muli %add3A_127, %mul3A_128 : i32
      %add3A_130 = arith.constant 16392 : i32
      %add3A_131 = arith.addi %add3A_130, %mul3A_129 : i32
      %get3A_132 = arith.index_cast %add3A_131 : i32 to index
      %get3A_133 = tpu.vector_load %arg9[%get3A_132] {strides = array<i32>} : memref<32784xf32, #tpu.memory_space<vmem>>, vector<16xf32>,
      %add3A_134 = arith.addf %add3A_126, %get3A_133 : vector<16xf32>
      %add3A_135 = arith.addi %shift_right_logical3A_11, %while3A_65 : i32
      %mul3A_136 = arith.constant 16 : i32
      %mul3A_137 = arith.muli %add3A_135, %mul3A_136 : i32
      %add3A_138 = arith.constant 18441 : i32
      %add3A_139 = arith.addi %add3A_138, %mul3A_137 : i32
      %get3A_140 = arith.index_cast %add3A_139 : i32 to index
      %get3A_141 = tpu.vector_load %arg9[%get3A_140] {strides = array<i32>} : memref<32784xf32, #tpu.memory_space<vmem>>, vector<16xf32>,
      %add3A_142 = arith.addf %add3A_134, %get3A_141 : vector<16xf32>
      %add3A_143 = arith.addi %shift_right_logical3A_11, %while3A_65 : i32
      %mul3A_144 = arith.constant 16 : i32
      %mul3A_145 = arith.muli %add3A_143, %mul3A_144 : i32
      %add3A_146 = arith.constant 20490 : i32
      %add3A_147 = arith.addi %add3A_146, %mul3A_145 : i32
      %get3A_148 = arith.index_cast %add3A_147 : i32 to index
      %get3A_149 = tpu.vector_load %arg9[%get3A_148] {strides = array<i32>} : memref<32784xf32, #tpu.memory_space<vmem>>, vector<16xf32>,
      %add3A_150 = arith.addf %add3A_142, %get3A_149 : vector<16xf32>
      %add3A_151 = arith.addi %shift_right_logical3A_11, %while3A_65 : i32
      %mul3A_152 = arith.constant 16 : i32
      %mul3A_153 = arith.muli %add3A_151, %mul3A_152 : i32
      %add3A_154 = arith.constant 22539 : i32
      %add3A_155 = arith.addi %add3A_154, %mul3A_153 : i32
      %get3A_156 = arith.index_cast %add3A_155 : i32 to index
      %get3A_157 = tpu.vector_load %arg9[%get3A_156] {strides = array<i32>} : memref<32784xf32, #tpu.memory_space<vmem>>, vector<16xf32>,
      %add3A_158 = arith.addf %add3A_150, %get3A_157 : vector<16xf32>
      %add3A_159 = arith.addi %shift_right_logical3A_11, %while3A_65 : i32
      %mul3A_160 = arith.constant 16 : i32
      %mul3A_161 = arith.muli %add3A_159, %mul3A_160 : i32
      %add3A_162 = arith.constant 24588 : i32
      %add3A_163 = arith.addi %add3A_162, %mul3A_161 : i32
      %get3A_164 = arith.index_cast %add3A_163 : i32 to index
      %get3A_165 = tpu.vector_load %arg9[%get3A_164] {strides = array<i32>} : memref<32784xf32, #tpu.memory_space<vmem>>, vector<16xf32>,
      %add3A_166 = arith.addf %add3A_158, %get3A_165 : vector<16xf32>
      %add3A_167 = arith.addi %shift_right_logical3A_11, %while3A_65 : i32
      %mul3A_168 = arith.constant 16 : i32
      %mul3A_169 = arith.muli %add3A_167, %mul3A_168 : i32
      %add3A_170 = arith.constant 26637 : i32
      %add3A_171 = arith.addi %add3A_170, %mul3A_169 : i32
      %get3A_172 = arith.index_cast %add3A_171 : i32 to index
      %get3A_173 = tpu.vector_load %arg9[%get3A_172] {strides = array<i32>} : memref<32784xf32, #tpu.memory_space<vmem>>, vector<16xf32>,
      %add3A_174 = arith.addf %add3A_166, %get3A_173 : vector<16xf32>
      %add3A_175 = arith.addi %shift_right_logical3A_11, %while3A_65 : i32
      %mul3A_176 = arith.constant 16 : i32
      %mul3A_177 = arith.muli %add3A_175, %mul3A_176 : i32
      %add3A_178 = arith.constant 28686 : i32
      %add3A_179 = arith.addi %add3A_178, %mul3A_177 : i32
      %get3A_180 = arith.index_cast %add3A_179 : i32 to index
      %get3A_181 = tpu.vector_load %arg9[%get3A_180] {strides = array<i32>} : memref<32784xf32, #tpu.memory_space<vmem>>, vector<16xf32>,
      %add3A_182 = arith.addf %add3A_174, %get3A_181 : vector<16xf32>
      %add3A_183 = arith.addi %shift_right_logical3A_11, %while3A_65 : i32
      %mul3A_184 = arith.constant 16 : i32
      %mul3A_185 = arith.muli %add3A_183, %mul3A_184 : i32
      %add3A_186 = arith.constant 30735 : i32
      %add3A_187 = arith.addi %add3A_186, %mul3A_185 : i32
      %get3A_188 = arith.index_cast %add3A_187 : i32 to index
      %get3A_189 = tpu.vector_load %arg9[%get3A_188] {strides = array<i32>} : memref<32784xf32, #tpu.memory_space<vmem>>, vector<16xf32>,
      %add3A_190 = arith.addf %add3A_182, %get3A_189 : vector<16xf32>
      %add3A_191 = arith.addi %shift_right_logical3A_11, %while3A_65 : i32
      %mul3A_192 = arith.constant 16 : i32
      %mul3A_193 = arith.muli %add3A_191, %mul3A_192 : i32
      %swap3A = arith.index_cast %mul3A_193 : i32 to index
      %swap3A_194 = tpu.vector_load %arg10[%swap3A] {strides = array<i32>} : memref<2048xf32, #tpu.memory_space<vmem>>, vector<16xf32>,
      tpu.vector_store %arg10[%swap3A], %add3A_190 {strides = array<i32>} : memref<2048xf32, #tpu.memory_space<vmem>>, vector<16xf32>,
    }
    %while3A_49 = arith.constant 1 : i32
    scf.for %while3A_65 = %while3A_47 to %while3A_43 step %while3A_49  : i32 {
      %add3A_66 = arith.addi %shift_right_logical3A_11, %while3A_65 : i32
      %mul3A_67 = arith.constant 16 : i32
      %mul3A_68 = arith.muli %add3A_66, %mul3A_67 : i32
      %get3A_69 = arith.index_cast %mul3A_68 : i32 to index
      %get3A_70 = tpu.vector_load %arg9[%get3A_69] {strides = array<i32>} : memref<32784xf32, #tpu.memory_space<vmem>>, vector<16xf32>,
      %add3A_71 = arith.addi %shift_right_logical3A_11, %while3A_65 : i32
      %mul3A_72 = arith.constant 16 : i32
      %mul3A_73 = arith.muli %add3A_71, %mul3A_72 : i32
      %add3A_74 = arith.constant 2049 : i32
      %add3A_75 = arith.addi %add3A_74, %mul3A_73 : i32
      %get3A_76 = arith.index_cast %add3A_75 : i32 to index
      %get3A_77 = tpu.vector_load %arg9[%get3A_76] {strides = array<i32>} : memref<32784xf32, #tpu.memory_space<vmem>>, vector<16xf32>,
      %add3A_78 = arith.addf %get3A_70, %get3A_77 : vector<16xf32>
      %add3A_79 = arith.addi %shift_right_logical3A_11, %while3A_65 : i32
      %mul3A_80 = arith.constant 16 : i32
      %mul3A_81 = arith.muli %add3A_79, %mul3A_80 : i32
      %add3A_82 = arith.constant 4098 : i32
      %add3A_83 = arith.addi %add3A_82, %mul3A_81 : i32
      %get3A_84 = arith.index_cast %add3A_83 : i32 to index
      %get3A_85 = tpu.vector_load %arg9[%get3A_84] {strides = array<i32>} : memref<32784xf32, #tpu.memory_space<vmem>>, vector<16xf32>,
      %add3A_86 = arith.addf %add3A_78, %get3A_85 : vector<16xf32>
      %add3A_87 = arith.addi %shift_right_logical3A_11, %while3A_65 : i32
      %mul3A_88 = arith.constant 16 : i32
      %mul3A_89 = arith.muli %add3A_87, %mul3A_88 : i32
      %add3A_90 = arith.constant 6147 : i32
      %add3A_91 = arith.addi %add3A_90, %mul3A_89 : i32
      %get3A_92 = arith.index_cast %add3A_91 : i32 to index
      %get3A_93 = tpu.vector_load %arg9[%get3A_92] {strides = array<i32>} : memref<32784xf32, #tpu.memory_space<vmem>>, vector<16xf32>,
      %add3A_94 = arith.addf %add3A_86, %get3A_93 : vector<16xf32>
      %add3A_95 = arith.addi %shift_right_logical3A_11, %while3A_65 : i32
      %mul3A_96 = arith.constant 16 : i32
      %mul3A_97 = arith.muli %add3A_95, %mul3A_96 : i32
      %add3A_98 = arith.constant 8196 : i32
      %add3A_99 = arith.addi %add3A_98, %mul3A_97 : i32
      %get3A_100 = arith.index_cast %add3A_99 : i32 to index
      %get3A_101 = tpu.vector_load %arg9[%get3A_100] {strides = array<i32>} : memref<32784xf32, #tpu.memory_space<vmem>>, vector<16xf32>,
      %add3A_102 = arith.addf %add3A_94, %get3A_101 : vector<16xf32>
      %add3A_103 = arith.addi %shift_right_logical3A_11, %while3A_65 : i32
      %mul3A_104 = arith.constant 16 : i32
      %mul3A_105 = arith.muli %add3A_103, %mul3A_104 : i32
      %add3A_106 = arith.constant 10245 : i32
      %add3A_107 = arith.addi %add3A_106, %mul3A_105 : i32
      %get3A_108 = arith.index_cast %add3A_107 : i32 to index
      %get3A_109 = tpu.vector_load %arg9[%get3A_108] {strides = array<i32>} : memref<32784xf32, #tpu.memory_space<vmem>>, vector<16xf32>,
      %add3A_110 = arith.addf %add3A_102, %get3A_109 : vector<16xf32>
      %add3A_111 = arith.addi %shift_right_logical3A_11, %while3A_65 : i32
      %mul3A_112 = arith.constant 16 : i32
      %mul3A_113 = arith.muli %add3A_111, %mul3A_112 : i32
      %add3A_114 = arith.constant 12294 : i32
      %add3A_115 = arith.addi %add3A_114, %mul3A_113 : i32
      %get3A_116 = arith.index_cast %add3A_115 : i32 to index
      %get3A_117 = tpu.vector_load %arg9[%get3A_116] {strides = array<i32>} : memref<32784xf32, #tpu.memory_space<vmem>>, vector<16xf32>,
      %add3A_118 = arith.addf %add3A_110, %get3A_117 : vector<16xf32>
      %add3A_119 = arith.addi %shift_right_logical3A_11, %while3A_65 : i32
      %mul3A_120 = arith.constant 16 : i32
      %mul3A_121 = arith.muli %add3A_119, %mul3A_120 : i32
      %add3A_122 = arith.constant 14343 : i32
      %add3A_123 = arith.addi %add3A_122, %mul3A_121 : i32
      %get3A_124 = arith.index_cast %add3A_123 : i32 to index
      %get3A_125 = tpu.vector_load %arg9[%get3A_124] {strides = array<i32>} : memref<32784xf32, #tpu.memory_space<vmem>>, vector<16xf32>,
      %add3A_126 = arith.addf %add3A_118, %get3A_125 : vector<16xf32>
      %add3A_127 = arith.addi %shift_right_logical3A_11, %while3A_65 : i32
      %mul3A_128 = arith.constant 16 : i32
      %mul3A_129 = arith.muli %add3A_127, %mul3A_128 : i32
      %add3A_130 = arith.constant 16392 : i32
      %add3A_131 = arith.addi %add3A_130, %mul3A_129 : i32
      %get3A_132 = arith.index_cast %add3A_131 : i32 to index
      %get3A_133 = tpu.vector_load %arg9[%get3A_132] {strides = array<i32>} : memref<32784xf32, #tpu.memory_space<vmem>>, vector<16xf32>,
      %add3A_134 = arith.addf %add3A_126, %get3A_133 : vector<16xf32>
      %add3A_135 = arith.addi %shift_right_logical3A_11, %while3A_65 : i32
      %mul3A_136 = arith.constant 16 : i32
      %mul3A_137 = arith.muli %add3A_135, %mul3A_136 : i32
      %add3A_138 = arith.constant 18441 : i32
      %add3A_139 = arith.addi %add3A_138, %mul3A_137 : i32
      %get3A_140 = arith.index_cast %add3A_139 : i32 to index
      %get3A_141 = tpu.vector_load %arg9[%get3A_140] {strides = array<i32>} : memref<32784xf32, #tpu.memory_space<vmem>>, vector<16xf32>,
      %add3A_142 = arith.addf %add3A_134, %get3A_141 : vector<16xf32>
      %add3A_143 = arith.addi %shift_right_logical3A_11, %while3A_65 : i32
      %mul3A_144 = arith.constant 16 : i32
      %mul3A_145 = arith.muli %add3A_143, %mul3A_144 : i32
      %add3A_146 = arith.constant 20490 : i32
      %add3A_147 = arith.addi %add3A_146, %mul3A_145 : i32
      %get3A_148 = arith.index_cast %add3A_147 : i32 to index
      %get3A_149 = tpu.vector_load %arg9[%get3A_148] {strides = array<i32>} : memref<32784xf32, #tpu.memory_space<vmem>>, vector<16xf32>,
      %add3A_150 = arith.addf %add3A_142, %get3A_149 : vector<16xf32>
      %add3A_151 = arith.addi %shift_right_logical3A_11, %while3A_65 : i32
      %mul3A_152 = arith.constant 16 : i32
      %mul3A_153 = arith.muli %add3A_151, %mul3A_152 : i32
      %add3A_154 = arith.constant 22539 : i32
      %add3A_155 = arith.addi %add3A_154, %mul3A_153 : i32
      %get3A_156 = arith.index_cast %add3A_155 : i32 to index
      %get3A_157 = tpu.vector_load %arg9[%get3A_156] {strides = array<i32>} : memref<32784xf32, #tpu.memory_space<vmem>>, vector<16xf32>,
      %add3A_158 = arith.addf %add3A_150, %get3A_157 : vector<16xf32>
      %add3A_159 = arith.addi %shift_right_logical3A_11, %while3A_65 : i32
      %mul3A_160 = arith.constant 16 : i32
      %mul3A_161 = arith.muli %add3A_159, %mul3A_160 : i32
      %add3A_162 = arith.constant 24588 : i32
      %add3A_163 = arith.addi %add3A_162, %mul3A_161 : i32
      %get3A_164 = arith.index_cast %add3A_163 : i32 to index
      %get3A_165 = tpu.vector_load %arg9[%get3A_164] {strides = array<i32>} : memref<32784xf32, #tpu.memory_space<vmem>>, vector<16xf32>,
      %add3A_166 = arith.addf %add3A_158, %get3A_165 : vector<16xf32>
      %add3A_167 = arith.addi %shift_right_logical3A_11, %while3A_65 : i32
      %mul3A_168 = arith.constant 16 : i32
      %mul3A_169 = arith.muli %add3A_167, %mul3A_168 : i32
      %add3A_170 = arith.constant 26637 : i32
      %add3A_171 = arith.addi %add3A_170, %mul3A_169 : i32
      %get3A_172 = arith.index_cast %add3A_171 : i32 to index
      %get3A_173 = tpu.vector_load %arg9[%get3A_172] {strides = array<i32>} : memref<32784xf32, #tpu.memory_space<vmem>>, vector<16xf32>,
      %add3A_174 = arith.addf %add3A_166, %get3A_173 : vector<16xf32>
      %add3A_175 = arith.addi %shift_right_logical3A_11, %while3A_65 : i32
      %mul3A_176 = arith.constant 16 : i32
      %mul3A_177 = arith.muli %add3A_175, %mul3A_176 : i32
      %add3A_178 = arith.constant 28686 : i32
      %add3A_179 = arith.addi %add3A_178, %mul3A_177 : i32
      %get3A_180 = arith.index_cast %add3A_179 : i32 to index
      %get3A_181 = tpu.vector_load %arg9[%get3A_180] {strides = array<i32>} : memref<32784xf32, #tpu.memory_space<vmem>>, vector<16xf32>,
      %add3A_182 = arith.addf %add3A_174, %get3A_181 : vector<16xf32>
      %add3A_183 = arith.addi %shift_right_logical3A_11, %while3A_65 : i32
      %mul3A_184 = arith.constant 16 : i32
      %mul3A_185 = arith.muli %add3A_183, %mul3A_184 : i32
      %add3A_186 = arith.constant 30735 : i32
      %add3A_187 = arith.addi %add3A_186, %mul3A_185 : i32
      %get3A_188 = arith.index_cast %add3A_187 : i32 to index
      %get3A_189 = tpu.vector_load %arg9[%get3A_188] {strides = array<i32>} : memref<32784xf32, #tpu.memory_space<vmem>>, vector<16xf32>,
      %add3A_190 = arith.addf %add3A_182, %get3A_189 : vector<16xf32>
      %add3A_191 = arith.addi %shift_right_logical3A_11, %while3A_65 : i32
      %mul3A_192 = arith.constant 16 : i32
      %mul3A_193 = arith.muli %add3A_191, %mul3A_192 : i32
      %swap3A = arith.index_cast %mul3A_193 : i32 to index
      %swap3A_194 = tpu.vector_load %arg10[%swap3A] {strides = array<i32>} : memref<2048xf32, #tpu.memory_space<vmem>>, vector<16xf32>,
      tpu.vector_store %arg10[%swap3A], %add3A_190 {strides = array<i32>} : memref<2048xf32, #tpu.memory_space<vmem>>, vector<16xf32>,
    }
    "tpu.region"() ({
      %run_scoped3A = tpu.sem_alloc : memref<!tpu.dma_semaphore, #tpu.memory_space<semaphore_mem>>
      %dma_start3A = arith.constant 0 : i32
      %dma_start3A_65 = tpu.memref_slice %arg13[%arg1, %dma_start3A] : memref<16x2048xf32, #tpu.memory_space<vmem_shared>> -> memref<1x2048xf32, #tpu.memory_space<vmem_shared>>
      %dma_start3A_66 = tpu.memref_squeeze %dma_start3A_65 : memref<1x2048xf32, #tpu.memory_space<vmem_shared>> -> memref<2048xf32, #tpu.memory_space<vmem_shared>>
      %dma_start3A_67 = arith.constant 0 : i32
      %dma_start3A_68 = tpu.memref_slice %arg13[%arg1, %dma_start3A_67] : memref<16x2048xf32, #tpu.memory_space<vmem_shared>> -> memref<1x2048xf32, #tpu.memory_space<vmem_shared>>
      %dma_start3A_69 = tpu.memref_squeeze %dma_start3A_68 : memref<1x2048xf32, #tpu.memory_space<vmem_shared>> -> memref<2048xf32, #tpu.memory_space<vmem_shared>>
      tpu.enqueue_dma source(%arg10 : memref<2048xf32, #tpu.memory_space<vmem>>) target(%dma_start3A_69 : memref<2048xf32, #tpu.memory_space<vmem_shared>>) target_semaphore(%run_scoped3A : memref<!tpu.dma_semaphore, #tpu.memory_space<semaphore_mem>>)
      %dma_wait3A = arith.constant 0 : i32
      %dma_wait3A_70 = tpu.memref_slice %arg13[%arg1, %dma_wait3A] : memref<16x2048xf32, #tpu.memory_space<vmem_shared>> -> memref<1x2048xf32, #tpu.memory_space<vmem_shared>>
      %dma_wait3A_71 = tpu.memref_squeeze %dma_wait3A_70 : memref<1x2048xf32, #tpu.memory_space<vmem_shared>> -> memref<2048xf32, #tpu.memory_space<vmem_shared>>
      %dma_wait3A_72 = arith.constant 0 : i32
      %dma_wait3A_73 = tpu.memref_slice %arg13[%arg1, %dma_wait3A_72] : memref<16x2048xf32, #tpu.memory_space<vmem_shared>> -> memref<1x2048xf32, #tpu.memory_space<vmem_shared>>
      %dma_wait3A_74 = tpu.memref_squeeze %dma_wait3A_73 : memref<1x2048xf32, #tpu.memory_space<vmem_shared>> -> memref<2048xf32, #tpu.memory_space<vmem_shared>>
      tpu.wait_dma2 semaphore(%run_scoped3A : memref<!tpu.dma_semaphore, #tpu.memory_space<semaphore_mem>>) src(%arg10 : memref<2048xf32, #tpu.memory_space<vmem>>) dst(%dma_wait3A_74 : memref<2048xf32, #tpu.memory_space<vmem_shared>>)
      tpu.yield
    }) : () -> ()
    %barrier3A = arith.constant 0 : index
    tpu.barrier barrier_id(%barrier3A)
    %mul3A_50 = arith.constant 128 : i32
    %mul3A_51 = arith.muli %arg1, %mul3A_50 : i32
    "tpu.region"() ({
      %run_scoped3A = tpu.sem_alloc : memref<!tpu.dma_semaphore, #tpu.memory_space<semaphore_mem>>
      %dma_start3A = arith.constant 0 : i32
      %dma_start3A_65 = tpu.memref_slice %arg13[%dma_start3A, %mul3A_51] : memref<16x2048xf32, #tpu.memory_space<vmem_shared>> -> memref<16x128xf32, #tpu.memory_space<vmem_shared>>
      %dma_start3A_66 = arith.constant 0 : i32
      %dma_start3A_67 = tpu.memref_slice %arg13[%dma_start3A_66, %mul3A_51] : memref<16x2048xf32, #tpu.memory_space<vmem_shared>> -> memref<16x128xf32, #tpu.memory_space<vmem_shared>>
      tpu.enqueue_dma source(%dma_start3A_67 : memref<16x128xf32, #tpu.memory_space<vmem_shared>>) target(%arg11 : memref<16x128xf32, #tpu.memory_space<vmem>>) target_semaphore(%run_scoped3A : memref<!tpu.dma_semaphore, #tpu.memory_space<semaphore_mem>>)
      %dma_wait3A = arith.constant 0 : i32
      %dma_wait3A_68 = tpu.memref_slice %arg13[%dma_wait3A, %mul3A_51] : memref<16x2048xf32, #tpu.memory_space<vmem_shared>> -> memref<16x128xf32, #tpu.memory_space<vmem_shared>>
      %dma_wait3A_69 = arith.constant 0 : i32
      %dma_wait3A_70 = tpu.memref_slice %arg13[%dma_wait3A_69, %mul3A_51] : memref<16x2048xf32, #tpu.memory_space<vmem_shared>> -> memref<16x128xf32, #tpu.memory_space<vmem_shared>>
      tpu.wait_dma2 semaphore(%run_scoped3A : memref<!tpu.dma_semaphore, #tpu.memory_space<semaphore_mem>>) src(%dma_wait3A_70 : memref<16x128xf32, #tpu.memory_space<vmem_shared>>) dst(%arg11 : memref<16x128xf32, #tpu.memory_space<vmem>>)
      tpu.yield
    }) : () -> ()
    %scan3A_52 = arith.constant 0 : i32
    %scan3A_53 = arith.constant 0 : i32
    %scan3A_54 = arith.constant 8 : i32
    %scan3A_55 = arith.addi %scan3A_53, %scan3A_54 : i32
    %scan3A_56 = arith.constant 1 : i32
    scf.for %scan3A_65 = %scan3A_53 to %scan3A_55 step %scan3A_56  : i32 {
      %mul3A_66 = arith.constant 16 : i32
      %mul3A_67 = arith.muli %scan3A_65, %mul3A_66 : i32
      %get3A_68 = arith.constant 0 : i32
      %get3A_69 = arith.index_cast %get3A_68 : i32 to index
      %get3A_70 = arith.index_cast %mul3A_67 : i32 to index
      %get3A_71 = tpu.vector_load %arg11[%get3A_69, %get3A_70] {strides = array<i32>} : memref<16x128xf32, #tpu.memory_space<vmem>>, vector<16xf32>,
      %mul3A_72 = arith.constant 16 : i32
      %mul3A_73 = arith.muli %scan3A_65, %mul3A_72 : i32
      %get3A_74 = arith.constant 1 : i32
      %get3A_75 = arith.index_cast %get3A_74 : i32 to index
      %get3A_76 = arith.index_cast %mul3A_73 : i32 to index
      %get3A_77 = tpu.vector_load %arg11[%get3A_75, %get3A_76] {strides = array<i32>} : memref<16x128xf32, #tpu.memory_space<vmem>>, vector<16xf32>,
      %add3A_78 = arith.addf %get3A_71, %get3A_77 : vector<16xf32>
      %mul3A_79 = arith.constant 16 : i32
      %mul3A_80 = arith.muli %scan3A_65, %mul3A_79 : i32
      %get3A_81 = arith.constant 2 : i32
      %get3A_82 = arith.index_cast %get3A_81 : i32 to index
      %get3A_83 = arith.index_cast %mul3A_80 : i32 to index
      %get3A_84 = tpu.vector_load %arg11[%get3A_82, %get3A_83] {strides = array<i32>} : memref<16x128xf32, #tpu.memory_space<vmem>>, vector<16xf32>,
      %add3A_85 = arith.addf %add3A_78, %get3A_84 : vector<16xf32>
      %mul3A_86 = arith.constant 16 : i32
      %mul3A_87 = arith.muli %scan3A_65, %mul3A_86 : i32
      %get3A_88 = arith.constant 3 : i32
      %get3A_89 = arith.index_cast %get3A_88 : i32 to index
      %get3A_90 = arith.index_cast %mul3A_87 : i32 to index
      %get3A_91 = tpu.vector_load %arg11[%get3A_89, %get3A_90] {strides = array<i32>} : memref<16x128xf32, #tpu.memory_space<vmem>>, vector<16xf32>,
      %add3A_92 = arith.addf %add3A_85, %get3A_91 : vector<16xf32>
      %mul3A_93 = arith.constant 16 : i32
      %mul3A_94 = arith.muli %scan3A_65, %mul3A_93 : i32
      %get3A_95 = arith.constant 4 : i32
      %get3A_96 = arith.index_cast %get3A_95 : i32 to index
      %get3A_97 = arith.index_cast %mul3A_94 : i32 to index
      %get3A_98 = tpu.vector_load %arg11[%get3A_96, %get3A_97] {strides = array<i32>} : memref<16x128xf32, #tpu.memory_space<vmem>>, vector<16xf32>,
      %add3A_99 = arith.addf %add3A_92, %get3A_98 : vector<16xf32>
      %mul3A_100 = arith.constant 16 : i32
      %mul3A_101 = arith.muli %scan3A_65, %mul3A_100 : i32
      %get3A_102 = arith.constant 5 : i32
      %get3A_103 = arith.index_cast %get3A_102 : i32 to index
      %get3A_104 = arith.index_cast %mul3A_101 : i32 to index
      %get3A_105 = tpu.vector_load %arg11[%get3A_103, %get3A_104] {strides = array<i32>} : memref<16x128xf32, #tpu.memory_space<vmem>>, vector<16xf32>,
      %add3A_106 = arith.addf %add3A_99, %get3A_105 : vector<16xf32>
      %mul3A_107 = arith.constant 16 : i32
      %mul3A_108 = arith.muli %scan3A_65, %mul3A_107 : i32
      %get3A_109 = arith.constant 6 : i32
      %get3A_110 = arith.index_cast %get3A_109 : i32 to index
      %get3A_111 = arith.index_cast %mul3A_108 : i32 to index
      %get3A_112 = tpu.vector_load %arg11[%get3A_110, %get3A_111] {strides = array<i32>} : memref<16x128xf32, #tpu.memory_space<vmem>>, vector<16xf32>,
      %add3A_113 = arith.addf %add3A_106, %get3A_112 : vector<16xf32>
      %mul3A_114 = arith.constant 16 : i32
      %mul3A_115 = arith.muli %scan3A_65, %mul3A_114 : i32
      %get3A_116 = arith.constant 7 : i32
      %get3A_117 = arith.index_cast %get3A_116 : i32 to index
      %get3A_118 = arith.index_cast %mul3A_115 : i32 to index
      %get3A_119 = tpu.vector_load %arg11[%get3A_117, %get3A_118] {strides = array<i32>} : memref<16x128xf32, #tpu.memory_space<vmem>>, vector<16xf32>,
      %add3A_120 = arith.addf %add3A_113, %get3A_119 : vector<16xf32>
      %mul3A_121 = arith.constant 16 : i32
      %mul3A_122 = arith.muli %scan3A_65, %mul3A_121 : i32
      %get3A_123 = arith.constant 8 : i32
      %get3A_124 = arith.index_cast %get3A_123 : i32 to index
      %get3A_125 = arith.index_cast %mul3A_122 : i32 to index
      %get3A_126 = tpu.vector_load %arg11[%get3A_124, %get3A_125] {strides = array<i32>} : memref<16x128xf32, #tpu.memory_space<vmem>>, vector<16xf32>,
      %add3A_127 = arith.addf %add3A_120, %get3A_126 : vector<16xf32>
      %mul3A_128 = arith.constant 16 : i32
      %mul3A_129 = arith.muli %scan3A_65, %mul3A_128 : i32
      %get3A_130 = arith.constant 9 : i32
      %get3A_131 = arith.index_cast %get3A_130 : i32 to index
      %get3A_132 = arith.index_cast %mul3A_129 : i32 to index
      %get3A_133 = tpu.vector_load %arg11[%get3A_131, %get3A_132] {strides = array<i32>} : memref<16x128xf32, #tpu.memory_space<vmem>>, vector<16xf32>,
      %add3A_134 = arith.addf %add3A_127, %get3A_133 : vector<16xf32>
      %mul3A_135 = arith.constant 16 : i32
      %mul3A_136 = arith.muli %scan3A_65, %mul3A_135 : i32
      %get3A_137 = arith.constant 10 : i32
      %get3A_138 = arith.index_cast %get3A_137 : i32 to index
      %get3A_139 = arith.index_cast %mul3A_136 : i32 to index
      %get3A_140 = tpu.vector_load %arg11[%get3A_138, %get3A_139] {strides = array<i32>} : memref<16x128xf32, #tpu.memory_space<vmem>>, vector<16xf32>,
      %add3A_141 = arith.addf %add3A_134, %get3A_140 : vector<16xf32>
      %mul3A_142 = arith.constant 16 : i32
      %mul3A_143 = arith.muli %scan3A_65, %mul3A_142 : i32
      %get3A_144 = arith.constant 11 : i32
      %get3A_145 = arith.index_cast %get3A_144 : i32 to index
      %get3A_146 = arith.index_cast %mul3A_143 : i32 to index
      %get3A_147 = tpu.vector_load %arg11[%get3A_145, %get3A_146] {strides = array<i32>} : memref<16x128xf32, #tpu.memory_space<vmem>>, vector<16xf32>,
      %add3A_148 = arith.addf %add3A_141, %get3A_147 : vector<16xf32>
      %mul3A_149 = arith.constant 16 : i32
      %mul3A_150 = arith.muli %scan3A_65, %mul3A_149 : i32
      %get3A_151 = arith.constant 12 : i32
      %get3A_152 = arith.index_cast %get3A_151 : i32 to index
      %get3A_153 = arith.index_cast %mul3A_150 : i32 to index
      %get3A_154 = tpu.vector_load %arg11[%get3A_152, %get3A_153] {strides = array<i32>} : memref<16x128xf32, #tpu.memory_space<vmem>>, vector<16xf32>,
      %add3A_155 = arith.addf %add3A_148, %get3A_154 : vector<16xf32>
      %mul3A_156 = arith.constant 16 : i32
      %mul3A_157 = arith.muli %scan3A_65, %mul3A_156 : i32
      %get3A_158 = arith.constant 13 : i32
      %get3A_159 = arith.index_cast %get3A_158 : i32 to index
      %get3A_160 = arith.index_cast %mul3A_157 : i32 to index
      %get3A_161 = tpu.vector_load %arg11[%get3A_159, %get3A_160] {strides = array<i32>} : memref<16x128xf32, #tpu.memory_space<vmem>>, vector<16xf32>,
      %add3A_162 = arith.addf %add3A_155, %get3A_161 : vector<16xf32>
      %mul3A_163 = arith.constant 16 : i32
      %mul3A_164 = arith.muli %scan3A_65, %mul3A_163 : i32
      %get3A_165 = arith.constant 14 : i32
      %get3A_166 = arith.index_cast %get3A_165 : i32 to index
      %get3A_167 = arith.index_cast %mul3A_164 : i32 to index
      %get3A_168 = tpu.vector_load %arg11[%get3A_166, %get3A_167] {strides = array<i32>} : memref<16x128xf32, #tpu.memory_space<vmem>>, vector<16xf32>,
      %add3A_169 = arith.addf %add3A_162, %get3A_168 : vector<16xf32>
      %mul3A_170 = arith.constant 16 : i32
      %mul3A_171 = arith.muli %scan3A_65, %mul3A_170 : i32
      %get3A_172 = arith.constant 15 : i32
      %get3A_173 = arith.index_cast %get3A_172 : i32 to index
      %get3A_174 = arith.index_cast %mul3A_171 : i32 to index
      %get3A_175 = tpu.vector_load %arg11[%get3A_173, %get3A_174] {strides = array<i32>} : memref<16x128xf32, #tpu.memory_space<vmem>>, vector<16xf32>,
      %add3A_176 = arith.addf %add3A_169, %get3A_175 : vector<16xf32>
      %mul3A_177 = arith.constant 16 : i32
      %mul3A_178 = arith.muli %scan3A_65, %mul3A_177 : i32
      %swap3A = arith.index_cast %mul3A_178 : i32 to index
      %swap3A_179 = tpu.vector_load %arg12[%swap3A] {strides = array<i32>} : memref<128xf32, #tpu.memory_space<vmem>>, vector<16xf32>,
      tpu.vector_store %arg12[%swap3A], %add3A_176 {strides = array<i32>} : memref<128xf32, #tpu.memory_space<vmem>>, vector<16xf32>,
    }
    %scan3A_57 = arith.constant 8 : i32
    %not3A = arith.constant true
    %not3A_58 = arith.xori %eq3A_0, %not3A : i1
    %convert_element_type3A_59 = arith.extui %not3A_58 : i1 to i32
    %cond3A_60 = arith.constant 0 : i32
    %cond3A_61 = arith.cmpi ne, %convert_element_type3A_59, %cond3A_60 : i32
    scf.if %cond3A_61 {
      %mul3A_65 = arith.constant 128 : i32
      %mul3A_66 = arith.muli %arg1, %mul3A_65 : i32
      "tpu.region"() ({
        %run_scoped3A = tpu.sem_alloc : memref<!tpu.dma_semaphore, #tpu.memory_space<semaphore_mem>>
        %dma_start3A = tpu.memref_slice %arg4[%mul3A_66] : memref<2000xf32, #tpu.memory_space<hbm>> -> memref<128xf32, #tpu.memory_space<hbm>>
        %dma_start3A_67 = tpu.memref_slice %arg4[%mul3A_66] : memref<2000xf32, #tpu.memory_space<hbm>> -> memref<128xf32, #tpu.memory_space<hbm>>
        tpu.enqueue_dma source(%arg12 : memref<128xf32, #tpu.memory_space<vmem>>) target(%dma_start3A_67 : memref<128xf32, #tpu.memory_space<hbm>>) target_semaphore(%run_scoped3A : memref<!tpu.dma_semaphore, #tpu.memory_space<semaphore_mem>>)
        %dma_wait3A = tpu.memref_slice %arg4[%mul3A_66] : memref<2000xf32, #tpu.memory_space<hbm>> -> memref<128xf32, #tpu.memory_space<hbm>>
        %dma_wait3A_68 = tpu.memref_slice %arg4[%mul3A_66] : memref<2000xf32, #tpu.memory_space<hbm>> -> memref<128xf32, #tpu.memory_space<hbm>>
        tpu.wait_dma2 semaphore(%run_scoped3A : memref<!tpu.dma_semaphore, #tpu.memory_space<semaphore_mem>>) src(%arg12 : memref<128xf32, #tpu.memory_space<vmem>>) dst(%dma_wait3A_68 : memref<128xf32, #tpu.memory_space<hbm>>)
        tpu.yield
      }) : () -> ()
    } else {
    }
    %convert_element_type3A_62 = arith.extui %eq3A_0 : i1 to i32
    %cond3A_63 = arith.constant 0 : i32
    %cond3A_64 = arith.cmpi ne, %convert_element_type3A_62, %cond3A_63 : i32
    scf.if %cond3A_64 {
      "tpu.region"() ({
        %run_scoped3A = tpu.sem_alloc : memref<!tpu.dma_semaphore, #tpu.memory_space<semaphore_mem>>
        %dma_start3A = arith.constant 0 : i32
        %dma_start3A_65 = tpu.memref_slice %arg12[%dma_start3A] : memref<128xf32, #tpu.memory_space<vmem>> -> memref<80xf32, #tpu.memory_space<vmem>>
        %dma_start3A_66 = arith.constant 1920 : i32
        %dma_start3A_67 = tpu.memref_slice %arg4[%dma_start3A_66] : memref<2000xf32, #tpu.memory_space<hbm>> -> memref<80xf32, #tpu.memory_space<hbm>>
        %dma_start3A_68 = arith.constant 1920 : i32
        %dma_start3A_69 = tpu.memref_slice %arg4[%dma_start3A_68] : memref<2000xf32, #tpu.memory_space<hbm>> -> memref<80xf32, #tpu.memory_space<hbm>>
        %dma_start3A_70 = arith.constant 0 : i32
        %dma_start3A_71 = tpu.memref_slice %arg12[%dma_start3A_70] : memref<128xf32, #tpu.memory_space<vmem>> -> memref<80xf32, #tpu.memory_space<vmem>>
        tpu.enqueue_dma source(%dma_start3A_71 : memref<80xf32, #tpu.memory_space<vmem>>) target(%dma_start3A_69 : memref<80xf32, #tpu.memory_space<hbm>>) target_semaphore(%run_scoped3A : memref<!tpu.dma_semaphore, #tpu.memory_space<semaphore_mem>>)
        %dma_wait3A = arith.constant 0 : i32
        %dma_wait3A_72 = tpu.memref_slice %arg12[%dma_wait3A] : memref<128xf32, #tpu.memory_space<vmem>> -> memref<80xf32, #tpu.memory_space<vmem>>
        %dma_wait3A_73 = arith.constant 1920 : i32
        %dma_wait3A_74 = tpu.memref_slice %arg4[%dma_wait3A_73] : memref<2000xf32, #tpu.memory_space<hbm>> -> memref<80xf32, #tpu.memory_space<hbm>>
        %dma_wait3A_75 = arith.constant 1920 : i32
        %dma_wait3A_76 = tpu.memref_slice %arg4[%dma_wait3A_75] : memref<2000xf32, #tpu.memory_space<hbm>> -> memref<80xf32, #tpu.memory_space<hbm>>
        %dma_wait3A_77 = arith.constant 0 : i32
        %dma_wait3A_78 = tpu.memref_slice %arg12[%dma_wait3A_77] : memref<128xf32, #tpu.memory_space<vmem>> -> memref<80xf32, #tpu.memory_space<vmem>>
        tpu.wait_dma2 semaphore(%run_scoped3A : memref<!tpu.dma_semaphore, #tpu.memory_space<semaphore_mem>>) src(%dma_wait3A_78 : memref<80xf32, #tpu.memory_space<vmem>>) dst(%dma_wait3A_76 : memref<80xf32, #tpu.memory_space<hbm>>)
        tpu.yield
      }) : () -> ()
    } else {
    }
    return
  }
}

module attributes {stable_mosaic.version = 14 : i64} {
  func.func @_mlp_body(%arg0: i32, %arg1: memref<10000x128xf32, #tpu.memory_space<vmem>>, %arg2: memref<128x32xf32, #tpu.memory_space<vmem>>, %arg3: memref<1x32xf32, #tpu.memory_space<vmem>>, %arg4: memref<32x1xf32, #tpu.memory_space<vmem>>, %arg5: memref<1x1xf32, #tpu.memory_space<vmem>>, %arg6: memref<10000x1xf32, #tpu.memory_space<vmem>>) attributes {dimension_semantics = [#tpu.dimension_semantics<arbitrary>], iteration_bounds = array<i64: 10>, scalar_prefetch = 0 : i64, scratch_operands = 0 : i64, tpu.core_type = #tpu.core_type<tc>, window_params = [{transform_indices = @transform_0, window_bounds = array<i64: 10000, 128>}, {pipeline_mode = #tpu.pipeline_mode<synchronous>, transform_indices = @transform_1, window_bounds = array<i64: 128, 32>}, {pipeline_mode = #tpu.pipeline_mode<synchronous>, transform_indices = @transform_2, window_bounds = array<i64: 1, 32>}, {pipeline_mode = #tpu.pipeline_mode<synchronous>, transform_indices = @transform_3, window_bounds = array<i64: 32, 1>}, {pipeline_mode = #tpu.pipeline_mode<synchronous>, transform_indices = @transform_4, window_bounds = array<i64: 1, 1>}, {transform_indices = @transform_5, window_bounds = array<i64: 10000, 1>}]} {
    %get3A = arith.constant 0 : index
    %get3A_0 = arith.constant 0 : index
    %get3A_1 = vector.load %arg1[%get3A, %get3A_0] : memref<10000x128xf32, #tpu.memory_space<vmem>>, vector<10000x128xf32>
    %get3A_2 = arith.constant 0 : index
    %get3A_3 = arith.constant 0 : index
    %get3A_4 = vector.load %arg2[%get3A_2, %get3A_3] : memref<128x32xf32, #tpu.memory_space<vmem>>, vector<128x32xf32>
    %dot_general3A = arith.constant dense<0.000000e+00> : vector<10000x32xf32>
    %dot_general3A_5 = tpu.matmul %get3A_1, %get3A_4, %dot_general3A {dimension_numbers = #tpu.dot_dimension_numbers<[1], [0], [0], [1], [0, 0, 1, 1], [], []>, transpose_lhs_hint = false} : vector<10000x128xf32>, vector<128x32xf32>, vector<10000x32xf32> -> vector<10000x32xf32>
    %get3A_6 = arith.constant 0 : index
    %get3A_7 = arith.constant 0 : index
    %get3A_8 = vector.load %arg3[%get3A_6, %get3A_7] : memref<1x32xf32, #tpu.memory_space<vmem>>, vector<1x32xf32>
    %add3A = vector.broadcast %get3A_8 : vector<1x32xf32> to vector<10000x32xf32>
    %add3A_9 = arith.addf %dot_general3A_5, %add3A : vector<10000x32xf32>
    %logistic3A = arith.negf %add3A_9 : vector<10000x32xf32>
    %logistic3A_10 = math.exp %logistic3A : vector<10000x32xf32>
    %logistic3A_11 = arith.constant 1.000000e+00 : f32
    %logistic3A_12 = vector.broadcast %logistic3A_11 : f32 to vector<10000x32xf32>
    %logistic3A_13 = arith.addf %logistic3A_12, %logistic3A_10 : vector<10000x32xf32>
    %logistic3A_14 = arith.divf %logistic3A_12, %logistic3A_13 : vector<10000x32xf32>
    %mul3A = arith.mulf %add3A_9, %logistic3A_14 : vector<10000x32xf32>
    %get3A_15 = arith.constant 0 : index
    %get3A_16 = arith.constant 0 : index
    %get3A_17 = vector.load %arg4[%get3A_15, %get3A_16] : memref<32x1xf32, #tpu.memory_space<vmem>>, vector<32x1xf32>
    %dot_general3A_18 = arith.constant dense<0.000000e+00> : vector<10000x1xf32>
    %dot_general3A_19 = tpu.matmul %mul3A, %get3A_17, %dot_general3A_18 {dimension_numbers = #tpu.dot_dimension_numbers<[1], [0], [0], [1], [0, 0, 1, 1], [], []>, transpose_lhs_hint = false} : vector<10000x32xf32>, vector<32x1xf32>, vector<10000x1xf32> -> vector<10000x1xf32>
    %get3A_20 = arith.constant 0 : index
    %get3A_21 = arith.constant 0 : index
    %get3A_22 = vector.load %arg5[%get3A_20, %get3A_21] : memref<1x1xf32, #tpu.memory_space<vmem>>, vector<1x1xf32>
    %add3A_23 = vector.broadcast %get3A_22 : vector<1x1xf32> to vector<10000x1xf32>
    %add3A_24 = arith.addf %dot_general3A_19, %add3A_23 : vector<10000x1xf32>
    %swap3A = arith.constant 0 : index
    %swap3A_25 = arith.constant 0 : index
    %swap3A_26 = vector.load %arg6[%swap3A, %swap3A_25] : memref<10000x1xf32, #tpu.memory_space<vmem>>, vector<10000x1xf32>
    tpu.vector_store %arg6[%swap3A, %swap3A_25], %add3A_24 {strides = array<i32>} : memref<10000x1xf32, #tpu.memory_space<vmem>>, vector<10000x1xf32>,
    return
  }
  func.func @transform_0(%arg0: i32) -> (i32, i32) {
    %c0_i32 = arith.constant 0 : i32
    %c0_i32_0 = arith.constant 0 : i32
    return %arg0, %c0_i32 : i32, i32
  }
  func.func @transform_1(%arg0: i32) -> (i32, i32) {
    %c0_i32 = arith.constant 0 : i32
    %c0_i32_0 = arith.constant 0 : i32
    %c0_i32_1 = arith.constant 0 : i32
    return %c0_i32, %c0_i32_0 : i32, i32
  }
  func.func @transform_2(%arg0: i32) -> (i32, i32) {
    %c0_i32 = arith.constant 0 : i32
    %c0_i32_0 = arith.constant 0 : i32
    %c0_i32_1 = arith.constant 0 : i32
    return %c0_i32, %c0_i32_0 : i32, i32
  }
  func.func @transform_3(%arg0: i32) -> (i32, i32) {
    %c0_i32 = arith.constant 0 : i32
    %c0_i32_0 = arith.constant 0 : i32
    %c0_i32_1 = arith.constant 0 : i32
    return %c0_i32, %c0_i32_0 : i32, i32
  }
  func.func @transform_4(%arg0: i32) -> (i32, i32) {
    %c0_i32 = arith.constant 0 : i32
    %c0_i32_0 = arith.constant 0 : i32
    %c0_i32_1 = arith.constant 0 : i32
    return %c0_i32, %c0_i32_0 : i32, i32
  }
  func.func @transform_5(%arg0: i32) -> (i32, i32) {
    %c0_i32 = arith.constant 0 : i32
    %c0_i32_0 = arith.constant 0 : i32
    return %arg0, %c0_i32 : i32, i32
  }
}

</mosaic_0001>

<sc_bundles>
// kernel: kernel.4.cloned.1.call-start
scs
__scs_entry_jumppad:
0x0: {  	(pc) =	sbr.rel $0x88, $3  }
0x1: {  	(tag) =	ssettag $0x0;
	lr =	simm.s32 $0x1  }
0x2: {  	[smem:$0x3F9B] =	sst lr;
	_ =	strace $0xD0000000  }
0x3: {  	_ = 	snop  }
0x4: {  	_ = 	snop  }
0x5: {  	_ = 	snop  }
0x6: {  	_ = 	snop  }
0x7: {  	_ = 	snop  }
__scs_overlays_trampoline_lowered:
0x8: {  	[smem:$0x3FAA] =	sst s0  }
0x9: {  	[smem:$0x3FAB] =	sst s1  }
0xa: {  	[smem:$0x3FAC] =	sst s2  }
0xb: {  	[smem:$0x3FAD] =	sst s3  }
0xc: {  	[smem:$0x3FAE] =	sst s4  }
0xd: {  	[smem:$0x3FAF] =	sst s5  }
0xe: {  	[smem:$0x3FB0] =	sst s6  }
0xf: {  	[smem:$0x3FB1] =	sst s7  }
0x10: {  	[smem:$0x3FB2] =	sst s8  }
0x11: {  	[smem:$0x3FB3] =	sst s9;
	s0 =	simm.s32 @!p0 $0x0  }
0x12: {  	s1 =	sld [smem:$0x3F99];
	s0 =	simm.s32 @p0 $0x1  }
0x13: {  	[smem:$0x3FB4] =	sst s0;
	s0 =	simm.s32 @!p1 $0x0  }
0x14: {  	s2 =	sld [smem:$0x3F98];
	s0 =	simm.s32 @p1 $0x1  }
0x15: {  	[smem:$0x3FB5] =	sst s0;
	s0 =	simm.s32 @!p2 $0x0  }
0x16: {  	s3 =	sld [smem:$0x3FDB];
	s0 =	simm.s32 @p2 $0x1  }
0x17: {  	s4 =	simm.s32 $0x1BF5;
	[smem:$0x3FB7] =	sst s0  }
0x18: {  	s0 =	sld [smem:$0x3F9A];
	_ =	swait.ge [sflag:s4], $0x0  }
0x19: {  	s7 =	sld [smem:$0x3F9B]  }
0x1a: {  	s8 =	sadd.s32 $0xFFFFE003, lr  }
0x1b: {  	s9 =	sadd.s32 $0xFFFFFEF7, lr;
	s5 =	simm.s32 $0xFFFFFFFF;
	p2 =	slt.u32 s8, $0xFFFFF086  }
0x1c: {  	p1 =	slt.u32 s9, $0xF7A;
	s5 =	simm.s32 @!p2 $0x0  }
0x1d: {  	s5 =	simm.s32 @p1 $0x1;
	p0 =	seq.s32 s7, s2  }
0x1e: {  	s7 =	smul.u32 @!p0 $0xF7A, s2;
	p2 =	seq.s32 @!p0 s5, $0x0  }
0x1f: {  	s9 =	smul.u32 $0xF7A, s1;
	s8 =	simm.s32 @!p0 $0x1BF5;
	p2 =	por !p2, p0  }
0x20: {  	[sflag:s8] =	ssyncset.s32 @!p0 $0xFFFFF086;
	s6 =	sadd.s32 @!p0 s3, s7;
	s7 =	simm.s32 @!p0 $0x108  }
0x21: {  	s3 =	sadd.s32 s3, s9;
	s6 =	sadd.s32 @!p0 $0x88, s6;
	s7 =	simm.s32 @p2 $0x1082  }
0x22: {  	[simem:s7], [sflag:s8] =	dma.local @!p0 [hbm:s6], $0xF7A  }
0x23: {  	s9 =	sor.u32 $0xD0000000, s2;
	s6 =	simm.s32 $0x108;
	_ =	swait.ge @!p0 [sflag:s8], $0x0  }
0x24: {  	s3 =	sadd.s32 $0x88, s3;
	s6 =	simm.s32 @!p1 $0x1082;
	[sflag:s4] =	ssyncset.s32 $0xFFFFF086  }
0x25: {  	[simem:s6], [sflag:s4] =	dma.local [hbm:s3], $0xF7A  }
0x26: {  	[smem:$0x3F9B] =	sst s1;
	(tag) =	ssettag s2;
	_ =	strace s9  }
0x27: {  	s1 =	sld [smem:$0x3FAB]  }
0x28: {  	s2 =	sld [smem:$0x3FAC]  }
0x29: {  	s4 =	sld [smem:$0x3FAE]  }
0x2a: {  	p0 =	seq.s32 s5, $0x0;
	s5 =	sld [smem:$0x3FAF]  }
0x2b: {  	s6 =	sld [smem:$0x3FB0]  }
0x2c: {  	s7 =	sld [smem:$0x3FB1]  }
0x2d: {  	s3 =	simm.s32 $0x108;
	s8 =	sld [smem:$0x3FB2]  }
0x2e: {  	s3 =	simm.s32 @!p0 $0x1082;
	s9 =	sld [smem:$0x3FB3]  }
0x2f: {  	lr =	sadd.s32 s0, s3;
	s0 =	sld [smem:$0x3FAA]  }
0x30: {  	s3 =	sld [smem:$0x3FAD]  }
0x31: {  	[smem:$0x3FB6] =	sst s10  }
0x32: {  	s10 =	sld [smem:$0x3FB4];
	_ =	sdelay $0x3  }
0x33: {  	p0 =	seq.s32 s10, $0x1;
	s10 =	sld [smem:$0x3FB6];
	_ =	sdelay $0x3  }
0x34: {  	[smem:$0x3FB6] =	sst s10  }
0x35: {  	s10 =	sld [smem:$0x3FB5];
	_ =	sdelay $0x3  }
0x36: {  	p1 =	seq.s32 s10, $0x1;
	s10 =	sld [smem:$0x3FB6];
	_ =	sdelay $0x3  }
0x37: {  	[smem:$0x3FB6] =	sst s10  }
0x38: {  	s10 =	sld [smem:$0x3FB7]  }
0x39: {  	_ = 	snop;
	(pc) =	sbr.ind lr, $3  }
0x3a: {  	_ = 	snop  }
0x3b: {  	_ = 	snop  }
0x3c: {  	p2 =	seq.s32 s10, $0x1;
	s10 =	sld [smem:$0x3FB6]  }
0x3d: {  	_ =	shalt  }
0x3e: {  	_ =	shalt  }
0x3f: {  	_ =	shalt  }
0x40: {  	_ =	shalt  }
0x41: {  	_ =	shalt  }
0x42: {  	_ =	shalt  }
0x43: {  	_ =	shalt  }
0x44: {  	_ =	shalt  }
0x45: {  	_ =	shalt  }
0x46: {  	_ =	shalt  }
0x47: {  	_ =	shalt  }
0x48: {  	_ =	shalt  }
0x49: {  	_ =	shalt  }
0x4a: {  	_ =	shalt  }
0x4b: {  	_ =	shalt  }
0x4c: {  	_ =	shalt  }
0x4d: {  	_ =	shalt  }
0x4e: {  	_ =	shalt  }
0x4f: {  	_ =	shalt  }
0x50: {  	_ =	shalt  }
0x51: {  	_ =	shalt  }
0x52: {  	_ =	shalt  }
0x53: {  	_ =	shalt  }
0x54: {  	_ =	shalt  }
0x55: {  	_ =	shalt  }
0x56: {  	_ =	shalt  }
0x57: {  	_ =	shalt  }
0x58: {  	_ =	shalt  }
0x59: {  	_ =	shalt  }
0x5a: {  	_ =	shalt  }
0x5b: {  	_ =	shalt  }
0x5c: {  	_ =	shalt  }
0x5d: {  	_ =	shalt  }
0x5e: {  	_ =	shalt  }
0x5f: {  	_ =	shalt  }
0x60: {  	_ =	shalt  }
0x61: {  	_ =	shalt  }
0x62: {  	_ =	shalt  }
0x63: {  	_ =	shalt  }
0x64: {  	_ =	shalt  }
0x65: {  	_ =	shalt  }
0x66: {  	_ =	shalt  }
0x67: {  	_ =	shalt  }
0x68: {  	_ =	shalt  }
0x69: {  	_ =	shalt  }
0x6a: {  	_ =	shalt  }
0x6b: {  	_ =	shalt  }
0x6c: {  	_ =	shalt  }
0x6d: {  	_ =	shalt  }
0x6e: {  	_ =	shalt  }
0x6f: {  	_ =	shalt  }
0x70: {  	_ =	shalt  }
0x71: {  	_ =	shalt  }
0x72: {  	_ =	shalt  }
0x73: {  	_ =	shalt  }
0x74: {  	_ =	shalt  }
0x75: {  	_ =	shalt  }
0x76: {  	_ =	shalt  }
0x77: {  	_ =	shalt  }
0x78: {  	_ =	shalt  }
0x79: {  	_ =	shalt  }
0x7a: {  	_ =	shalt  }
0x7b: {  	_ =	shalt  }
0x7c: {  	_ =	shalt  }
0x7d: {  	_ =	shalt  }
0x7e: {  	_ =	shalt  }
0x7f: {  	_ =	shalt  }
0x80: {  	_ =	shalt  }
0x81: {  	_ =	shalt  }
0x82: {  	_ =	shalt  }
0x83: {  	_ =	shalt  }
0x84: {  	_ =	shalt  }
0x85: {  	_ =	shalt  }
0x86: {  	_ =	shalt  }
0x87: {  	_ =	shalt  }
.Lfunc_end0:
.L_simem_size_0:
called_computation_lowered:
.L_overlay_start_0:
0x88: {  	s0 =	sld [smem:$0x3FD9]  }
0x89: {  	s1 =	sld [smem:$0x3FFE];
	_ =	sdelay $0x3  }
0x8a: {  	s0 =	sadd.s32 s1, s0  }
0x8b: {  	[smem:$0x3FC2] =	sst s0  }
0x8c: {  	_ = 	snop  }
0x8d: {  	s0 =	sld [smem:$0x3FC8]  }
0x8e: {  	s16 =	sld [smem:$0x3FD0];
	(tm) =	ssettm $0x1  }
0x8f: {  	s2 =	sld [smem:$0x3FFB];
	_ =	sdelay $0x3  }
0x90: {  	_ =	strace s2  }
0x91: {  	s2 =	sld [smem:$0x3FFC];
	_ =	sdelay $0x3  }
0x92: {  	_ =	strace s2  }
0x93: {  	s2 =	sld [smem:$0x3FFD];
	_ =	sdelay $0x3  }
0x94: {  	_ =	strace s2  }
0x95: {  	_ =	strace $0x8FFFFFFF  }
0x96: {  	s17 =	sld [smem:$0x3FDB];
	_ =	sdelay $0x1  }
0x97: {  	s3 =	simm.s32 $_scs_section_size  }
0x98: {  	s4 =	simm.s32 $_size__tile_overlayer_lowered;
	s5 =	simm.s32 $_tile_overlayer_lowered  }
0x99: {  	s20 =	simm.s32 $0x1BFF;
	s19 =	sshll.u32 s5, $0x1;
	s2 =	sadd.s32 s3, s17  }
0x9a: {  	s6 =	simm.s32 $0x0;
	s18 =	sshll.u32 s4, $0x1;
	s4 =	sadd.s32 s19, s2  }
0x9b: {  	[timem:s6], [sflag:s20] =	dma.local [hbm:s4], s18  }
0x9c: {  	_ =	swait.ge [sflag:s20], s18  }
0x9d: {  	s3 =	ssub.s32 $0x0, s18;
	[sflag:s20] =	ssyncset.done $0x0  }
0x9e: {  	[sflag:s20] =	ssyncadd.s32 s3;
	_ =	sdelay $0x1  }
0x9f: {  	s21 =	simm.s32 $0x1B8B  }
0xa0: {  	_ =	swait.ge [sflag:s21], $0x1  }
0xa1: {  	[sflag:s21] =	ssyncset.done $0x0  }
0xa2: {  	s23 =	simm.s32 $0x1B8E;
	s22 =	sld [smem:$0x3FFE];
	[sflag:s21] =	ssyncadd.s32 $0xFFFFFFFF  }
0xa3: {  	s24 =	simm.s32 $execute0_lowered;
	[smem:$0x3FD2] =	sst s23  }
0xa4: {  	s4 =	sshll.u32 s24, $0x1;
	_ =	strace $0x80000046;
	[dreg:$0x1] =	wrdreg $0xFFFFFFFF  }
0xa5: {  	s25 =	simm.s32 $_size_execute0_lowered;
	s2 =	sadd.s32 s2, s4;
	[dreg:$0x0] =	wrdreg $0x0  }
0xa6: {  	s4 =	sshll.u32 s25, $0x1;
	[dreg:$0x2] =	wrdreg s2  }
0xa7: {  	[dreg:$0x3] =	wrdreg s4  }
0xa8: {  	[dreg:$0x4] =	wrdreg $0xC0  }
0xa9: {  	_ =	task [dreg:s6], $0x5FFFF  }
0xaa: {  	[dreg:$0x1] =	wrdreg $0xFFFFFFFF  }
0xab: {  	[dreg:$0x0] =	wrdreg $0x60  }
0xac: {  	[dreg:$0x2] =	wrdreg s22  }
0xad: {  	[dreg:$0x3] =	wrdreg s0  }
0xae: {  	[dreg:$0x4] =	wrdreg s16  }
0xaf: {  	[dreg:$0x5] =	wrdreg $0xC2900  }
0xb0: {  	[dreg:$0x6] =	wrdreg $0x9  }
0xb1: {  	_ =	task.clear_ibuf [dreg:s6], $0x7FFFF;
	_ =	strace $0x90000046  }
0xb2: {  	s26 =	simm.s32 $0x9;
	_ =	strace $0x80000048  }
0xb3: {  	_ =	swait.ge [sflag:s26], $0x1  }
0xb4: {  	[sflag:s26] =	ssyncadd.s32 $0xFFFFFFFF  }
0xb5: {  	_ =	strace $0x90000048  }
0xb6: {  	_ =	sfence  }
0xb7: {  	s28 =	sld [smem:$0x0];
	_ =	sdelay $0x1  }
0xb8: {  	s29 =	srdreg.scid  }
0xb9: {  	s30 =	sshll.u32 s29, $0xD;
	s31 =	sshrl.u32 s29, $0x2  }
0xba: {  	s1 =	sand.u32 $0x1, s29;
	s2 =	sand.u32 $0x4000, s30;
	s0 =	sadd.s32 s31, s28  }
0xbb: {  	s1 =	sor.u32 s2, s1;
	s0 =	sshll.u32 s0, $0x11  }
0xbc: {  	s0 =	sor.u32 s0, s1  }
0xbd: {  	s0 =	sadd.s32 $0x8F2B, s0  }
0xbe: {  	[sflag:s0] =	ssyncadd.remote.s32 $0x1  }
0xbf: {  	_ =	sfence.sel $0xFFFF  }
0xc0: {  	[dreg:$0x0] =	wrdreg $0xFFFFFFFF;
	(pc) =	sbr.abs _section_cstart, $3  }
0xc1: {  	[dreg:$0x1] =	wrdreg $0xFFFFFFFF  }
0xc2: {  	_ =	task.clear_ibuf [dreg:s6], $0x2FFFF;
	_ =	strace $0x9FFFFFFF  }
0xc3: {  	(tm) =	ssettm $0x7FFFFFFF  }
tec
execute0_lowered:
.L_overlay_start_1:
0x0: {  	(tag) =	ssettag $0x1  }
0x1: {  	s4 =	rddreg [dreg:$0x0]  }
0x2: {  	s5 =	rddreg [dreg:$0x1]  }
0x3: {  	s3 =	rddreg [dreg:$0x2]  }
0x4: {  	s2 =	rddreg [dreg:$0x3];
	s1 =	stileid.u32  }
0x5: {  	s0 =	rddreg [dreg:$0x4];
	s6 =	simm.s32 $0x0;
	s7 =	smul.u32 $0x30C, s1  }
0x6: {  	[smem:$0x7FF] =	sst s6  }
0x7: {  	s29 =	simm.s32 $0x1;
	_ =	strace $0x80000047;
	s8 =	sadd.s32 s5, s7  }
0x8: {  	[tilespmem:s6], [sflag:$0x1] =	stream.linear.gather [hbm4b:s8+s6], $0x1860, $0x38;
	[tilespmem:$0xCA90] =	vst v63  }
0x9: {  	_ =	swait.ge [sflag:s29], $0x1860  }
0xa: {  	s4 =	sadd.s32 $0x186C00, s4;
	[sflag:s29] =	ssyncset.done $0x0  }
0xb: {  	s9 =	simm.s32 $0x1860;
	s7 =	sadd.s32 s4, s7;
	[sflag:s29] =	ssyncadd.s32 $0xFFFFE7A0  }
0xc: {  	[tilespmem:s9], [sflag:$0x1] =	stream.linear.gather [hbm4b:s7+s6], $0x1860, $0x38;
	[tilespmem:$0xCA90] =	vst v63  }
0xd: {  	_ =	swait.ge [sflag:s29], $0x1860  }
0xe: {  	[sflag:s29] =	ssyncset.done $0x0  }
0xf: {  	s30 =	simm.s32 $0x30C0;
	s5 =	sadd.s32 $0x30C0, s5;
	[sflag:s29] =	ssyncadd.s32 $0xFFFFE7A0  }
0x10: {  	[tilespmem:s30], [sflag:$0x1] =	stream.linear.gather [hbm4b:s5+s6], $0xA0, $0x38;
	[tilespmem:$0xCA90] =	vst v63  }
0x11: {  	_ =	swait.ge [sflag:s29], $0xA0  }
0x12: {  	[sflag:s29] =	ssyncset.done $0x0  }
0x13: {  	s31 =	simm.s32 $0x3160;
	s4 =	sadd.s32 $0x30C0, s4;
	[sflag:s29] =	ssyncadd.s32 $0xFFFFFF60  }
0x14: {  	[tilespmem:s31], [sflag:$0x1] =	stream.linear.gather [hbm4b:s4+s6], $0xA0, $0x38;
	[tilespmem:$0xCA90] =	vst v63  }
0x15: {  	_ =	swait.ge [sflag:s29], $0xA0  }
0x16: {  	[sflag:s29] =	ssyncset.done $0x0  }
0x17: {  	[sflag:s29] =	ssyncadd.s32 $0xFFFFFF60  }
0x18: {  	v0 =	vld [tilespmem:$0x0]  }
0x19: {  	v1 =	vld [tilespmem:$0x3150]  }
0x1a: {  	v3 =	vimm.f32 $0.0e+00;
	s5 =	simm.s32 $0x200;
	s4 =	simm.s32 $0x0;
	v2 =	vld [tilespmem:$0x1850]  }
.LBB2_1:
0x1b: {  	p0 =	seq.s32 s5, $0x1E00;
	[tilespmem:s4+$0xB280] =	vst v3  }
0x1c: {  	[tilespmem:s4+$0xB210] =	vst v3  }
0x1d: {  	[tilespmem:s4+$0xB220] =	vst v3  }
.Ltmp0:
0x1e: {  	[tilespmem:s4+$0xB230] =	vst v3;
	(pc) =	sbr.rel @!p0 .LBB2_1-.Ltmp0, $4  }
0x1f: {  	[tilespmem:s4+$0xB240] =	vst v3  }
0x20: {  	[tilespmem:s4+$0xB250] =	vst v3  }
0x21: {  	[tilespmem:s4+$0xB260] =	vst v3  }
0x22: {  	[tilespmem:s4+$0xB270] =	vst v3;
	s4 =	sshra.s32 s5, $0x2;
	s5 =	sadd.s32 $0x200, s5  }
0x23: {  	(v2sf) =	vpush v0, $0x0  }
0x24: {  	(v2sf) =	vpush v1, $0xF  }
0x25: {  	(v2sf) =	vpush v2, $0xF;
	_ =	sdelay $0xc  }
0x26: {  	s31 =	spop (v2sf)  }
0x27: {  	s5 =	spop (v2sf)  }
0x28: {  	p0 =	seq.s32 s1, $0xF;
	s7 =	spop (v2sf)  }
0x29: {  	[tilespmem:s4+$0xB280] =	vst v3;
	s7 =	smov.u32 @p0 s5  }
0x2a: {  	[tilespmem:s4+$0xB210] =	vst v3;
	s6 =	sshrl.u32 s31, $0x4;
	s7 =	sshrl.u32 s7, $0x4  }
0x2b: {  	[tilespmem:s4+$0xB220] =	vst v3;
	p1 =	slt.u32 s7, s6  }
.Ltmp1:
0x2c: {  	[tilespmem:s4+$0xB230] =	vst v3;
	(pc) =	sbr.rel @p1 .LBB2_6-.Ltmp1, $4  }
0x2d: {  	[tilespmem:s4+$0xB240] =	vst v3  }
0x2e: {  	[tilespmem:s4+$0xB250] =	vst v3  }
0x2f: {  	[tilespmem:s4+$0xB260] =	vst v3  }
0x30: {  	[tilespmem:s4+$0xB270] =	vst v3;
	s4 =	sshll.u32 s1, $0xB;
	s8 =	sshll.u32 s1, $0x7;
	s9 =	sshll.u32 s1, $0x4  }
0x31: {  	s5 =	sshll.u32 s6, $0x6  }
0x32: {  	s5 =	sshra.s32 s5, $0x2  }
0x33: {  	v0 =	vimm.f32 $0.0e+00;
	s5 =	sadd.s32 $0x3200, s5  }
0x34: {  	[tilespmem:s5+$0x0] =	vst v0  }
0x35: {  	[tilespmem:s5+$0x780F] =	vst v0  }
0x36: {  	[tilespmem:s5+$0x700E] =	vst v0  }
0x37: {  	[tilespmem:s5+$0x680D] =	vst v0  }
0x38: {  	[tilespmem:s5+$0x600C] =	vst v0  }
0x39: {  	[tilespmem:s5+$0x580B] =	vst v0  }
0x3a: {  	[tilespmem:s5+$0x500A] =	vst v0  }
0x3b: {  	s10 =	ssub.s32 s7, s6;
	[tilespmem:s5+$0x4809] =	vst v0  }
0x3c: {  	s10 =	sadd.s32 $0x1, s10;
	[tilespmem:s5+$0x4008] =	vst v0  }
0x3d: {  	p2 =	sne.s32 s10, $0x1;
	[tilespmem:s5+$0x3807] =	vst v0  }
.Ltmp2:
0x3e: {  	[tilespmem:s5+$0x3006] =	vst v0;
	(pc) =	sbr.rel @!p2 .LBB2_5-.Ltmp2, $4  }
0x3f: {  	[tilespmem:s5+$0x2805] =	vst v0  }
0x40: {  	[tilespmem:s5+$0x2004] =	vst v0  }
0x41: {  	[tilespmem:s5+$0x1803] =	vst v0  }
0x42: {  	s10 =	sadd.s32 $0xFFFFFFFF, s10;
	[tilespmem:s5+$0x1002] =	vst v0  }
.LBB2_4:
0x43: {  	p2 =	sne.s32 s10, $0x1;
	s10 =	sadd.s32 $0xFFFFFFFF, s10;
	[tilespmem:s5+$0x801] =	vst v0;
	s5 =	sadd.s32 $0x10, s5  }
0x44: {  	[tilespmem:s5+$0x0] =	vst v0  }
0x45: {  	[tilespmem:s5+$0x780F] =	vst v0  }
0x46: {  	[tilespmem:s5+$0x700E] =	vst v0  }
0x47: {  	[tilespmem:s5+$0x680D] =	vst v0  }
0x48: {  	[tilespmem:s5+$0x600C] =	vst v0  }
0x49: {  	[tilespmem:s5+$0x580B] =	vst v0  }
0x4a: {  	[tilespmem:s5+$0x500A] =	vst v0  }
0x4b: {  	[tilespmem:s5+$0x4809] =	vst v0  }
0x4c: {  	[tilespmem:s5+$0x4008] =	vst v0  }
0x4d: {  	[tilespmem:s5+$0x3807] =	vst v0  }
.Ltmp3:
0x4e: {  	[tilespmem:s5+$0x3006] =	vst v0;
	(pc) =	sbr.rel @p2 .LBB2_4-.Ltmp3, $4  }
0x4f: {  	[tilespmem:s5+$0x2805] =	vst v0  }
0x50: {  	[tilespmem:s5+$0x2004] =	vst v0  }
0x51: {  	[tilespmem:s5+$0x1803] =	vst v0  }
0x52: {  	[tilespmem:s5+$0x1002] =	vst v0  }
.LBB2_5:
0x53: {  	[tilespmem:s5+$0x801] =	vst v0  }
.LBB2_6:
0x54: {  	s5 =	sadd.s32 s4, s2;
	s4 =	sadd.s32 s8, s2;
	s2 =	sadd.s32 s3, s9;
	v0 =	vlaneseq.u32  }
0x55: {  	s3 =	sadd.s32 $0xF0, s3;
	s8 =	simm.s32 $0x0;
	s9 =	simm.s32 $0x3200;
	v0 =	vmul.u32 $0x801, v0  }
.LBB2_7:
0x56: {  	s10 =	sshra.s32 s8, $0x2  }
0x57: {  	v1 =	vld [tilespmem:s10+$0x0];
	_ =	sdelay $0x4  }
0x58: {  	v2 =	vld [tilespmem:s10+$0x1860];
	v1 =	vadd.s32 v0, v1;
	_ =	sdelay $0x4  }
0x59: {  	[tilespmem:v1+s9+$0x0] =	vst.idx.add.f32.msk $0xffff, v2  }
0x5a: {  	v1 =	vld [tilespmem:s10+$0x10];
	_ =	sdelay $0x4  }
0x5b: {  	v2 =	vld [tilespmem:s10+$0x1870];
	v1 =	vadd.s32 v0, v1;
	_ =	sdelay $0x4  }
0x5c: {  	[tilespmem:v1+s9+$0x0] =	vst.idx.add.f32.msk $0xffff, v2  }
0x5d: {  	v1 =	vld [tilespmem:s10+$0x20];
	_ =	sdelay $0x4  }
0x5e: {  	v2 =	vld [tilespmem:s10+$0x1880];
	v1 =	vadd.s32 v0, v1;
	_ =	sdelay $0x4  }
0x5f: {  	[tilespmem:v1+s9+$0x0] =	vst.idx.add.f32.msk $0xffff, v2  }
0x60: {  	v1 =	vld [tilespmem:s10+$0x30];
	_ =	sdelay $0x4  }
0x61: {  	v2 =	vld [tilespmem:s10+$0x1890];
	v1 =	vadd.s32 v0, v1;
	_ =	sdelay $0x4  }
0x62: {  	[tilespmem:v1+s9+$0x0] =	vst.idx.add.f32.msk $0xffff, v2  }
0x63: {  	v1 =	vld [tilespmem:s10+$0x40];
	_ =	sdelay $0x4  }
0x64: {  	v2 =	vld [tilespmem:s10+$0x18A0];
	v1 =	vadd.s32 v0, v1;
	_ =	sdelay $0x4  }
0x65: {  	[tilespmem:v1+s9+$0x0] =	vst.idx.add.f32.msk $0xffff, v2  }
0x66: {  	v1 =	vld [tilespmem:s10+$0x50];
	_ =	sdelay $0x4  }
0x67: {  	v2 =	vld [tilespmem:s10+$0x18B0];
	v1 =	vadd.s32 v0, v1;
	_ =	sdelay $0x4  }
0x68: {  	[tilespmem:v1+s9+$0x0] =	vst.idx.add.f32.msk $0xffff, v2  }
0x69: {  	v1 =	vld [tilespmem:s10+$0x60];
	_ =	sdelay $0x4  }
0x6a: {  	v2 =	vld [tilespmem:s10+$0x18C0];
	v1 =	vadd.s32 v0, v1;
	_ =	sdelay $0x4  }
0x6b: {  	[tilespmem:v1+s9+$0x0] =	vst.idx.add.f32.msk $0xffff, v2  }
0x6c: {  	v1 =	vld [tilespmem:s10+$0x70];
	_ =	sdelay $0x4  }
0x6d: {  	v2 =	vld [tilespmem:s10+$0x18D0];
	v1 =	vadd.s32 v0, v1;
	_ =	sdelay $0x4  }
0x6e: {  	[tilespmem:v1+s9+$0x0] =	vst.idx.add.f32.msk $0xffff, v2  }
0x6f: {  	v1 =	vld [tilespmem:s10+$0x80];
	_ =	sdelay $0x4  }
0x70: {  	v2 =	vld [tilespmem:s10+$0x18E0];
	v1 =	vadd.s32 v0, v1;
	_ =	sdelay $0x4  }
0x71: {  	[tilespmem:v1+s9+$0x0] =	vst.idx.add.f32.msk $0xffff, v2  }
0x72: {  	v1 =	vld [tilespmem:s10+$0x90];
	_ =	sdelay $0x4  }
0x73: {  	p2 =	sne.s32 s8, $0x5F00;
	v2 =	vld [tilespmem:s10+$0x18F0];
	v1 =	vadd.s32 v0, v1  }
.Ltmp4:
0x74: {  	_ = 	snop;
	(pc) =	sbr.rel @p2 .LBB2_7-.Ltmp4, $2  }
0x75: {  	_ =	sdelay $0x2  }
0x76: {  	s8 =	sadd.s32 $0x280, s8;
	[tilespmem:v1+s9+$0x0] =	vst.idx.add.f32.msk $0xffff, v2  }
0x77: {  	p2 =	sne.s32 s1, $0xF  }
0x78: {  	v0 =	vld @!p2 [tilespmem:$0x30C0];
	_ =	sdelay $0x1  }
0x79: {  	v1 =	vlaneseq.u32 @!p2  }
0x7a: {  	v1 =	vmul.u32 @!p2 $0x801, v1;
	_ =	sdelay $0x1  }
0x7b: {  	v2 =	vld @!p2 [tilespmem:$0x3160];
	v0 =	vadd.s32 @!p2 v1, v0;
	_ =	sdelay $0x3  }
0x7c: {  	s8 =	simm.s32 @!p2 $0x3200  }
0x7d: {  	[tilespmem:v0+s8+$0x0] =	vst.idx.add.f32.msk @!p2 $0xffff, v2  }
0x7e: {  	v0 =	vld @!p2 [tilespmem:$0x30D0];
	_ =	sdelay $0x4  }
0x7f: {  	v2 =	vld @!p2 [tilespmem:$0x3170];
	v0 =	vadd.s32 @!p2 v1, v0;
	_ =	sdelay $0x4  }
0x80: {  	[tilespmem:v0+s8+$0x0] =	vst.idx.add.f32.msk @!p2 $0xffff, v2  }
0x81: {  	v0 =	vld @!p2 [tilespmem:$0x30E0];
	_ =	sdelay $0x4  }
0x82: {  	v2 =	vld @!p2 [tilespmem:$0x3180];
	v0 =	vadd.s32 @!p2 v1, v0;
	_ =	sdelay $0x4  }
0x83: {  	[tilespmem:v0+s8+$0x0] =	vst.idx.add.f32.msk @!p2 $0xffff, v2  }
0x84: {  	v0 =	vld @!p2 [tilespmem:$0x30F0];
	_ =	sdelay $0x4  }
0x85: {  	v2 =	vld @!p2 [tilespmem:$0x3190];
	v0 =	vadd.s32 @!p2 v1, v0;
	_ =	sdelay $0x4  }
0x86: {  	[tilespmem:v0+s8+$0x0] =	vst.idx.add.f32.msk @!p2 $0xffff, v2  }
0x87: {  	v0 =	vld @!p2 [tilespmem:$0x3100];
	_ =	sdelay $0x4  }
0x88: {  	v2 =	vld @!p2 [tilespmem:$0x31A0];
	v0 =	vadd.s32 @!p2 v1, v0;
	_ =	sdelay $0x4  }
0x89: {  	[tilespmem:v0+s8+$0x0] =	vst.idx.add.f32.msk @!p2 $0xffff, v2  }
0x8a: {  	v0 =	vld @!p2 [tilespmem:$0x3110];
	_ =	sdelay $0x4  }
0x8b: {  	v2 =	vld @!p2 [tilespmem:$0x31B0];
	v0 =	vadd.s32 @!p2 v1, v0;
	_ =	sdelay $0x4  }
0x8c: {  	[tilespmem:v0+s8+$0x0] =	vst.idx.add.f32.msk @!p2 $0xffff, v2  }
0x8d: {  	v0 =	vld @!p2 [tilespmem:$0x3120];
	_ =	sdelay $0x4  }
0x8e: {  	v2 =	vld @!p2 [tilespmem:$0x31C0];
	v0 =	vadd.s32 @!p2 v1, v0;
	_ =	sdelay $0x4  }
0x8f: {  	[tilespmem:v0+s8+$0x0] =	vst.idx.add.f32.msk @!p2 $0xffff, v2  }
0x90: {  	v0 =	vld @!p2 [tilespmem:$0x3130];
	_ =	sdelay $0x4  }
0x91: {  	v2 =	vld @!p2 [tilespmem:$0x31D0];
	v0 =	vadd.s32 @!p2 v1, v0;
	_ =	sdelay $0x4  }
0x92: {  	[tilespmem:v0+s8+$0x0] =	vst.idx.add.f32.msk @!p2 $0xffff, v2  }
0x93: {  	v0 =	vld @!p2 [tilespmem:$0x3140];
	_ =	sdelay $0x4  }
0x94: {  	v2 =	vld @!p2 [tilespmem:$0x31E0];
	v0 =	vadd.s32 @!p2 v1, v0;
	_ =	sdelay $0x4  }
0x95: {  	[tilespmem:v0+s8+$0x0] =	vst.idx.add.f32.msk @!p2 $0xffff, v2  }
0x96: {  	v0 =	vld @!p2 [tilespmem:$0x3150];
	_ =	sdelay $0x4  }
0x97: {  	v2 =	vld @!p2 [tilespmem:$0x31F0];
	v0 =	vadd.s32 @!p2 v1, v0  }
.Ltmp5:
0x98: {  	_ = 	snop;
	(pc) =	sbr.rel @p1 .LBB2_15-.Ltmp5, $2  }
0x99: {  	_ =	sdelay $0x2  }
0x9a: {  	[tilespmem:v0+s8+$0x0] =	vst.idx.add.f32.msk @!p2 $0xffff, v2  }
0x9b: {  	s8 =	sshll.u32 s6, $0x6  }
0x9c: {  	s30 =	ssub.s32 s7, s6;
	s8 =	sshra.s32 s8, $0x2  }
0x9d: {  	s31 =	sadd.s32 $0x1, s30;
	v0 =	vmov s8  }
0x9e: {  	p2 =	sne.s32 s31, $0x1  }
.Ltmp6:
0x9f: {  	_ = 	snop;
	(pc) =	sbr.rel @!p2 .LBB2_10-.Ltmp6, $4  }
0xa0: {  	_ = 	snop  }
0xa1: {  	s7 =	simm.s32 $0x3200  }
0xa2: {  	v1 =	vld.idx.msk [tilespmem:v0+s7+$0x801 ss:$0x1], $0xffff  }
0xa3: {  	s6 =	simm.s32 $0xB210;
	p1 =	por $0x0, $0x0;
	s8 =	sadd.s32 $0xFFFFFFFF, s31;
	v2 =	vld.idx.msk [tilespmem:v0+s7+$0x0 ss:$0x1], $0xffff  }
0xa4: {  	_ =	sdelay $0x3  }
0xa5: {  	v3 =	vld.idx.msk [tilespmem:v0+s7+$0x1002 ss:$0x1], $0xffff;
	_ =	sdelay $0x1  }
0xa6: {  	v4 =	vld.idx.msk [tilespmem:v0+s7+$0x1803 ss:$0x1], $0xffff  }
0xa7: {  	v1 =	vadd.f32 v1, v2  }
0xa8: {  	v2 =	vld.idx.msk [tilespmem:v0+s7+$0x2004 ss:$0x1], $0xffff  }
0xa9: {  	v1 =	vadd.f32 v3, v1  }
0xaa: {  	v3 =	vld.idx.msk [tilespmem:v0+s7+$0x2805 ss:$0x1], $0xffff  }
0xab: {  	v1 =	vadd.f32 v4, v1  }
0xac: {  	v60 =	vld.idx.msk [tilespmem:v0+s7+$0x3006 ss:$0x1], $0xffff  }
0xad: {  	v1 =	vadd.f32 v2, v1  }
0xae: {  	v2 =	vld.idx.msk [tilespmem:v0+s7+$0x3807 ss:$0x1], $0xffff  }
0xaf: {  	v1 =	vadd.f32 v3, v1  }
0xb0: {  	v3 =	vld.idx.msk [tilespmem:v0+s7+$0x4008 ss:$0x1], $0xffff  }
0xb1: {  	v1 =	vadd.f32 v60, v1  }
0xb2: {  	v61 =	vld.idx.msk [tilespmem:v0+s7+$0x4809 ss:$0x1], $0xffff  }
0xb3: {  	v1 =	vadd.f32 v2, v1  }
0xb4: {  	v2 =	vld.idx.msk [tilespmem:v0+s7+$0x500A ss:$0x1], $0xffff  }
0xb5: {  	v1 =	vadd.f32 v3, v1  }
0xb6: {  	v3 =	vld.idx.msk [tilespmem:v0+s7+$0x580B ss:$0x1], $0xffff  }
0xb7: {  	v1 =	vadd.f32 v61, v1  }
0xb8: {  	v62 =	vld.idx.msk [tilespmem:v0+s7+$0x600C ss:$0x1], $0xffff  }
0xb9: {  	v1 =	vadd.f32 v2, v1  }
0xba: {  	v2 =	vld.idx.msk [tilespmem:v0+s7+$0x680D ss:$0x1], $0xffff  }
0xbb: {  	v1 =	vadd.f32 v3, v1  }
0xbc: {  	v3 =	vld.idx.msk [tilespmem:v0+s7+$0x700E ss:$0x1], $0xffff  }
0xbd: {  	v1 =	vadd.f32 v62, v1  }
0xbe: {  	v63 =	vld.idx.msk [tilespmem:v0+s7+$0x780F ss:$0x1], $0xffff  }
0xbf: {  	v1 =	vadd.f32 v2, v1;
	_ =	sdelay $0x1  }
0xc0: {  	v1 =	vadd.f32 v3, v1  }
0xc1: {  	p2 =	sne.s32 s8, $0x1  }
.Ltmp7:
0xc2: {  	v1 =	vadd.f32 v63, v1;
	(pc) =	sbr.rel @!p2 .LBB2_12-.Ltmp7, $4  }
0xc3: {  	_ = 	snop  }
0xc4: {  	s7 =	simm.s32 $0x3210;
	[tilespmem:v0+s6+$0x0 ss:$0x1] =	vst.idx.msk $0xffff, v1  }
0xc5: {  	v1 =	vld.idx.msk [tilespmem:v0+s7+$0x801 ss:$0x1], $0xffff  }
0xc6: {  	s9 =	sadd.s32 $0xFFFFFFFF, s8;
	p1 =	por $0x1, $0x1;
	s8 =	simm.s32 $0xB210;
	v2 =	vld.idx.msk [tilespmem:v0+s7+$0x0 ss:$0x1], $0xffff  }
.LBB2_13:
0xc7: {  	p2 =	sne.s32 s9, $0x1  }
0xc8: {  	v3 =	vld.idx.msk [tilespmem:v0+s7+$0x1002 ss:$0x1], $0xffff;
	_ =	sdelay $0x1  }
0xc9: {  	v4 =	vld.idx.msk [tilespmem:v0+s7+$0x1803 ss:$0x1], $0xffff;
	_ =	sdelay $0x1  }
0xca: {  	v1 =	vadd.f32 v1, v2;
	v2 =	vld.idx.msk [tilespmem:v0+s7+$0x2004 ss:$0x1], $0xffff;
	_ =	sdelay $0x1  }
0xcb: {  	v1 =	vadd.f32 v3, v1;
	v3 =	vld.idx.msk [tilespmem:v0+s7+$0x2805 ss:$0x1], $0xffff;
	_ =	sdelay $0x1  }
0xcc: {  	v1 =	vadd.f32 v4, v1;
	v4 =	vld.idx.msk [tilespmem:v0+s7+$0x3006 ss:$0x1], $0xffff;
	_ =	sdelay $0x1  }
0xcd: {  	v1 =	vadd.f32 v2, v1;
	v2 =	vld.idx.msk [tilespmem:v0+s7+$0x3807 ss:$0x1], $0xffff;
	_ =	sdelay $0x1  }
0xce: {  	v1 =	vadd.f32 v3, v1;
	v3 =	vld.idx.msk [tilespmem:v0+s7+$0x4008 ss:$0x1], $0xffff;
	_ =	sdelay $0x1  }
0xcf: {  	v1 =	vadd.f32 v4, v1;
	v4 =	vld.idx.msk [tilespmem:v0+s7+$0x4809 ss:$0x1], $0xffff;
	_ =	sdelay $0x1  }
0xd0: {  	v1 =	vadd.f32 v2, v1;
	v2 =	vld.idx.msk [tilespmem:v0+s7+$0x500A ss:$0x1], $0xffff;
	_ =	sdelay $0x1  }
0xd1: {  	v1 =	vadd.f32 v3, v1;
	v3 =	vld.idx.msk [tilespmem:v0+s7+$0x580B ss:$0x1], $0xffff;
	_ =	sdelay $0x1  }
0xd2: {  	v1 =	vadd.f32 v4, v1;
	v4 =	vld.idx.msk [tilespmem:v0+s7+$0x600C ss:$0x1], $0xffff;
	_ =	sdelay $0x1  }
0xd3: {  	v1 =	vadd.f32 v2, v1;
	v2 =	vld.idx.msk [tilespmem:v0+s7+$0x680D ss:$0x1], $0xffff;
	_ =	sdelay $0x1  }
0xd4: {  	v1 =	vadd.f32 v3, v1;
	v3 =	vld.idx.msk [tilespmem:v0+s7+$0x700E ss:$0x1], $0xffff;
	_ =	sdelay $0x1  }
0xd5: {  	v1 =	vadd.f32 v4, v1;
	v4 =	vld.idx.msk [tilespmem:v0+s7+$0x780F ss:$0x1], $0xffff;
	_ =	sdelay $0x1  }
0xd6: {  	v1 =	vadd.f32 v2, v1;
	_ =	sdelay $0x1  }
0xd7: {  	v1 =	vadd.f32 v3, v1;
	_ =	sdelay $0x1  }
.Ltmp8:
0xd8: {  	v1 =	vadd.f32 v4, v1;
	(pc) =	sbr.rel @p2 .LBB2_13-.Ltmp8, $4  }
0xd9: {  	s8 =	sadd.s32 $0x10, s8  }
0xda: {  	s7 =	sadd.s32 $0x10, s7;
	[tilespmem:v0+s8+$0x0 ss:$0x1] =	vst.idx.msk $0xffff, v1  }
0xdb: {  	v1 =	vld.idx.msk [tilespmem:v0+s7+$0x801 ss:$0x1], $0xffff  }
0xdc: {  	s9 =	sadd.s32 $0xFFFFFFFF, s9;
	v2 =	vld.idx.msk [tilespmem:v0+s7+$0x0 ss:$0x1], $0xffff  }
.LBB2_14:
0xdd: {  	_ =	sdelay $0x3  }
0xde: {  	v3 =	vld.idx.msk [tilespmem:v0+s7+$0x1002 ss:$0x1], $0xffff;
	_ =	sdelay $0x1  }
0xdf: {  	v4 =	vld.idx.msk [tilespmem:v0+s7+$0x1803 ss:$0x1], $0xffff  }
0xe0: {  	v1 =	vadd.f32 v1, v2  }
0xe1: {  	v52 =	vld.idx.msk [tilespmem:v0+s7+$0x2004 ss:$0x1], $0xffff  }
0xe2: {  	v1 =	vadd.f32 v3, v1  }
0xe3: {  	v53 =	vld.idx.msk [tilespmem:v0+s7+$0x2805 ss:$0x1], $0xffff  }
0xe4: {  	v1 =	vadd.f32 v4, v1  }
0xe5: {  	v54 =	vld.idx.msk [tilespmem:v0+s7+$0x3006 ss:$0x1], $0xffff  }
0xe6: {  	v1 =	vadd.f32 v52, v1  }
0xe7: {  	v55 =	vld.idx.msk [tilespmem:v0+s7+$0x3807 ss:$0x1], $0xffff  }
0xe8: {  	v1 =	vadd.f32 v53, v1  }
0xe9: {  	v56 =	vld.idx.msk [tilespmem:v0+s7+$0x4008 ss:$0x1], $0xffff  }
0xea: {  	v1 =	vadd.f32 v54, v1  }
0xeb: {  	v57 =	vld.idx.msk [tilespmem:v0+s7+$0x4809 ss:$0x1], $0xffff  }
0xec: {  	v1 =	vadd.f32 v55, v1  }
0xed: {  	v58 =	vld.idx.msk [tilespmem:v0+s7+$0x500A ss:$0x1], $0xffff  }
0xee: {  	v1 =	vadd.f32 v56, v1  }
0xef: {  	v59 =	vld.idx.msk [tilespmem:v0+s7+$0x580B ss:$0x1], $0xffff  }
0xf0: {  	v1 =	vadd.f32 v57, v1  }
0xf1: {  	v60 =	vld.idx.msk [tilespmem:v0+s7+$0x600C ss:$0x1], $0xffff  }
0xf2: {  	v1 =	vadd.f32 v58, v1  }
0xf3: {  	v61 =	vld.idx.msk [tilespmem:v0+s7+$0x680D ss:$0x1], $0xffff  }
0xf4: {  	v1 =	vadd.f32 v59, v1  }
0xf5: {  	v62 =	vld.idx.msk [tilespmem:v0+s7+$0x700E ss:$0x1], $0xffff  }
0xf6: {  	v1 =	vadd.f32 v60, v1  }
0xf7: {  	v63 =	vld.idx.msk [tilespmem:v0+s7+$0x780F ss:$0x1], $0xffff  }
0xf8: {  	v1 =	vadd.f32 v61, v1;
	_ =	sdelay $0x1  }
0xf9: {  	v1 =	vadd.f32 v62, v1;
	_ =	sdelay $0x1  }
0xfa: {  	s7 =	sadd.s32 @p1 $0x10, s8;
	v1 =	vadd.f32 v63, v1  }
0xfb: {  	s6 =	smov.u32 @p1 s7  }
0xfc: {  	[tilespmem:v0+s6+$0x0 ss:$0x1] =	vst.idx.msk $0xffff, v1  }
.LBB2_15:
0xfd: {  	s6 =	simm.s32 $0xB210;
	s30 =	simm.s32 $0x1  }
0xfe: {  	[spmem:s5] =	stream.linear.scatter [tilespmem:s6], [sflag:$0x1], $0x800, $0x38;
	[tilespmem:$0xCA90] =	vst v63  }
0xff: {  	_ =	swait.ge [sflag:s30], $0x800  }
0x100: {  	[sflag:s30] =	ssyncset.done $0x0  }
0x101: {  	s31 =	simm.s32 $0x80;
	[sflag:s30] =	ssyncadd.s32 $0xFFFFF800  }
0x102: {  	s7 =	simm.s32 $0x800;
	s8 =	simm.s32 $0xBA10;
	[bflag:$0x0] =	sbarrier.arrive $0xFFFF  }
0x103: {  	[tilespmem:s8], [sflag:$0x1] =	stream.strided.gather [spmem:s4], $0x800, s7, s31, $0x38;
	[tilespmem:$0xCA90] =	vst v63  }
0x104: {  	_ =	swait.ge [sflag:s30], $0x800  }
0x105: {  	[sflag:s30] =	ssyncset.done $0x0  }
0x106: {  	s5 =	simm.s32 $0x0;
	[sflag:s30] =	ssyncadd.s32 $0xFFFFF800  }
0x107: {  	v0 =	vld [tilespmem:s5+$0xBA10]  }
0x108: {  	v1 =	vld [tilespmem:s5+$0xBA90];
	_ =	sdelay $0x1  }
0x109: {  	v2 =	vld [tilespmem:s5+$0xBB10];
	_ =	sdelay $0x1  }
0x10a: {  	v3 =	vld [tilespmem:s5+$0xBB90]  }
0x10b: {  	v0 =	vadd.f32 v1, v0  }
0x10c: {  	v1 =	vld [tilespmem:s5+$0xBC10]  }
0x10d: {  	v0 =	vadd.f32 v2, v0  }
0x10e: {  	v2 =	vld [tilespmem:s5+$0xBC90]  }
0x10f: {  	v0 =	vadd.f32 v3, v0  }
0x110: {  	v3 =	vld [tilespmem:s5+$0xBD10]  }
0x111: {  	v0 =	vadd.f32 v1, v0  }
0x112: {  	v1 =	vld [tilespmem:s5+$0xBD90]  }
0x113: {  	s4 =	simm.s32 $0x10;
	v4 =	vld [tilespmem:s5+$0xBE10];
	v0 =	vadd.f32 v2, v0  }
0x114: {  	v5 =	vld [tilespmem:s4+$0xBA10]  }
0x115: {  	v2 =	vld [tilespmem:s5+$0xBE90];
	v0 =	vadd.f32 v3, v0  }
0x116: {  	v3 =	vld [tilespmem:s4+$0xBA90]  }
0x117: {  	v6 =	vld [tilespmem:s4+$0xBB10];
	v0 =	vadd.f32 v1, v0  }
0x118: {  	v1 =	vld [tilespmem:s5+$0xBF10]  }
0x119: {  	v7 =	vld [tilespmem:s4+$0xBB90];
	v0 =	vadd.f32 v4, v0  }
0x11a: {  	v4 =	vld [tilespmem:s5+$0xBF90]  }
0x11b: {  	v3 =	vadd.f32 v3, v5;
	v5 =	vld [tilespmem:s4+$0xBC10];
	v0 =	vadd.f32 v2, v0  }
0x11c: {  	v2 =	vld [tilespmem:s5+$0xC010]  }
0x11d: {  	v3 =	vadd.f32 v6, v3;
	v6 =	vld [tilespmem:s4+$0xBC90];
	v0 =	vadd.f32 v1, v0  }
0x11e: {  	v1 =	vld [tilespmem:s5+$0xC090]  }
0x11f: {  	v8 =	vld [tilespmem:s4+$0xBD10];
	v3 =	vadd.f32 v7, v3;
	v0 =	vadd.f32 v4, v0  }
0x120: {  	v7 =	vld [tilespmem:s5+$0xC110]  }
0x121: {  	v4 =	vadd.f32 v5, v3;
	v3 =	vld [tilespmem:s4+$0xBD90];
	v5 =	vadd.f32 v2, v0  }
0x122: {  	v2 =	vld [tilespmem:s5+$0xC190]  }
0x123: {  	v0 =	vld [tilespmem:s4+$0xBE90];
	v6 =	vadd.f32 v6, v4;
	v9 =	vadd.f32 v1, v5  }
0x124: {  	s6 =	simm.s32 $0x20;
	v4 =	vld [tilespmem:s4+$0xBE10]  }
0x125: {  	s7 =	simm.s32 $0xC0;
	v1 =	vld [tilespmem:s6+$0xBA10];
	v5 =	vadd.f32 v8, v6;
	v6 =	vadd.f32 v7, v9  }
.LBB2_16:
0x126: {  	p1 =	sne.s32 s7, $0x1C0;
	v7 =	vld [tilespmem:s6+$0xBA90]  }
0x127: {  	v3 =	vadd.f32 v3, v5;
	v5 =	vld [tilespmem:s4+$0xBF10];
	v2 =	vadd.f32 v2, v6  }
0x128: {  	v6 =	vld [tilespmem:s6+$0xBB10]  }
0x129: {  	v3 =	vadd.f32 v4, v3;
	v4 =	vld [tilespmem:s4+$0xBF90];
	[tilespmem:s5+$0xC210] =	vst v2;
	s5 =	smov.u32 s4;
	s4 =	smov.u32 s6  }
0x12a: {  	v2 =	vld [tilespmem:s4+$0xBB90]  }
0x12b: {  	v1 =	vadd.f32 v7, v1;
	v0 =	vadd.f32 v0, v3;
	v3 =	vld [tilespmem:s5+$0xC010]  }
0x12c: {  	v7 =	vld [tilespmem:s4+$0xBC10]  }
0x12d: {  	v1 =	vadd.f32 v6, v1;
	v0 =	vadd.f32 v5, v0;
	v5 =	vld [tilespmem:s5+$0xC090]  }
0x12e: {  	v6 =	vld [tilespmem:s4+$0xBC90]  }
0x12f: {  	v1 =	vadd.f32 v2, v1;
	v0 =	vadd.f32 v4, v0;
	v8 =	vld [tilespmem:s5+$0xC110]  }
0x130: {  	v9 =	vld [tilespmem:s4+$0xBD10]  }
.Ltmp9:
0x131: {  	v1 =	vadd.f32 v7, v1;
	v4 =	vadd.f32 v3, v0;
	v2 =	vld [tilespmem:s5+$0xC190];
	(pc) =	sbr.rel @p1 .LBB2_16-.Ltmp9, $4  }
0x132: {  	v3 =	vld [tilespmem:s4+$0xBD90]  }
0x133: {  	v6 =	vadd.f32 v6, v1;
	v0 =	vld [tilespmem:s4+$0xBE90];
	v7 =	vadd.f32 v5, v4  }
0x134: {  	s6 =	sshra.s32 s7, $0x2;
	v4 =	vld [tilespmem:s4+$0xBE10]  }
0x135: {  	s7 =	sadd.s32 $0x40, s7;
	v1 =	vld [tilespmem:s6+$0xBA10];
	v5 =	vadd.f32 v9, v6;
	v6 =	vadd.f32 v8, v7  }
0x136: {  	v7 =	vld [tilespmem:s6+$0xBA90]  }
0x137: {  	v8 =	vld [tilespmem:s4+$0xBF10];
	v2 =	vadd.f32 v2, v6  }
0x138: {  	v46 =	vld [tilespmem:s6+$0xBB10]  }
0x139: {  	v9 =	vld [tilespmem:s4+$0xBF90];
	v3 =	vadd.f32 v3, v5;
	[tilespmem:s5+$0xC210] =	vst v2  }
0x13a: {  	v2 =	vld [tilespmem:s6+$0xBB90]  }
0x13b: {  	v3 =	vadd.f32 v4, v3;
	v1 =	vadd.f32 v7, v1  }
0x13c: {  	v47 =	vld [tilespmem:s6+$0xBC10]  }
0x13d: {  	v48 =	vld [tilespmem:s4+$0xC010];
	v0 =	vadd.f32 v0, v3;
	v1 =	vadd.f32 v46, v1  }
0x13e: {  	v49 =	vld [tilespmem:s6+$0xBC90]  }
0x13f: {  	v50 =	vld [tilespmem:s4+$0xC090];
	v0 =	vadd.f32 v8, v0;
	v1 =	vadd.f32 v2, v1  }
0x140: {  	v51 =	vld [tilespmem:s6+$0xBD10]  }
0x141: {  	v52 =	vld [tilespmem:s4+$0xC110];
	v0 =	vadd.f32 v9, v0;
	v1 =	vadd.f32 v47, v1  }
0x142: {  	v53 =	vld [tilespmem:s6+$0xBD90]  }
0x143: {  	v54 =	vld [tilespmem:s4+$0xC190];
	v0 =	vadd.f32 v48, v0;
	v1 =	vadd.f32 v49, v1  }
0x144: {  	v55 =	vld [tilespmem:s6+$0xBE10]  }
0x145: {  	v0 =	vadd.f32 v50, v0;
	v1 =	vadd.f32 v51, v1  }
0x146: {  	v56 =	vld [tilespmem:s6+$0xBE90]  }
0x147: {  	v0 =	vadd.f32 v52, v0;
	v1 =	vadd.f32 v53, v1  }
0x148: {  	v57 =	vld [tilespmem:s6+$0xBF10]  }
0x149: {  	v0 =	vadd.f32 v54, v0;
	v1 =	vadd.f32 v55, v1  }
0x14a: {  	v58 =	vld [tilespmem:s6+$0xBF90]  }
0x14b: {  	[tilespmem:s4+$0xC210] =	vst v0;
	v59 =	vadd.f32 v56, v1  }
0x14c: {  	v60 =	vld [tilespmem:s6+$0xC010]  }
0x14d: {  	v0 =	vadd.f32 v57, v59  }
0x14e: {  	v61 =	vld [tilespmem:s6+$0xC090]  }
0x14f: {  	v0 =	vadd.f32 v58, v0  }
0x150: {  	v62 =	vld [tilespmem:s6+$0xC110]  }
0x151: {  	v0 =	vadd.f32 v60, v0  }
0x152: {  	v63 =	vld [tilespmem:s6+$0xC190]  }
0x153: {  	v0 =	vadd.f32 v61, v0;
	_ =	sdelay $0x1  }
0x154: {  	v0 =	vadd.f32 v62, v0;
	_ =	sdelay $0x1  }
0x155: {  	v0 =	vadd.f32 v63, v0;
	_ =	sdelay $0x1  }
0x156: {  	s5 =	simm.s32 @p0 $0xC210;
	s4 =	simm.s32 @p0 $0x0;
	[tilespmem:s6+$0xC210] =	vst v0  }
0x157: {  	[hbm4b:s3+s4] =	stream.linear.scatter @p0 [tilespmem:s5], [sflag:$0x1], $0x50, $0x38;
	[tilespmem:$0xCA90] =	vst v63  }
0x158: {  	s3 =	simm.s32 @p0 $0x1  }
0x159: {  	_ =	swait.ge @p0 [sflag:s3], $0x50  }
0x15a: {  	[sflag:s3] =	ssyncset.done @p0 $0x0  }
0x15b: {  	s4 =	simm.s32 @!p0 $0xC210;
	[sflag:s3] =	ssyncadd.s32 @p0 $0xFFFFFFB0;
	s3 =	simm.s32 @!p0 $0x0  }
0x15c: {  	[hbm4b:s2+s3] =	stream.linear.scatter @!p0 [tilespmem:s4], [sflag:$0x1], $0x80, $0x38;
	[tilespmem:$0xCA90] =	vst v63  }
0x15d: {  	s2 =	simm.s32 @!p0 $0x1  }
0x15e: {  	_ =	swait.ge @!p0 [sflag:s2], $0x80  }
0x15f: {  	[sflag:s2] =	ssyncset.done @!p0 $0x0  }
0x160: {  	[sflag:s2] =	ssyncadd.s32 @!p0 $0xFFFFFF80  }
0x161: {  	_ =	sfence.sel $0x180000  }
0x162: {  	[bflag:$0x0] =	sbarrier.arrive $0xFFFF  }
0x163: {  	p0 =	sne.s32 s1, $0x0;
	_ =	strace $0x90000047  }
0x164: {  	s0 =	sadd.s32 @!p0 $0x100000, s0;
	[bflag:$0x2] =	sbarrier.arrive $0xFFFF  }
0x165: {  	[sflag:s0] =	ssyncadd.tile.s32 @!p0 $0x1;
	_ =	shalt  }
.LBB2_10:
.Ltmp10:
0x166: {  	(pc) =	sbr.rel .LBB2_14-.Ltmp10, $2  }
0x167: {  	_ =	sdelay $0x2  }
0x168: {  	s8 =	simm.s32 $0xB210  }
.LBB2_12:
.Ltmp11:
0x169: {  	(pc) =	sbr.rel .LBB2_14-.Ltmp11, $2  }
0x16a: {  	_ =	sdelay $0x2  }
0x16b: {  	s8 =	simm.s32 $0xB210  }
.Lfunc_end2:
_tile_overlayer_lowered:
.L_overlay_start_2:
0x16c: {  	(tag) =	ssettag $0x2  }
0x16d: {  	s0 =	rddreg [dreg:$0x0];
	s2 =	stileid.u32  }
0x16e: {  	s1 =	rddreg [dreg:$0x1];
	p0 =	sne.s32 s2, $0x0  }
0x16f: {  	s3 =	rddreg [dreg:$0x2];
	[bflag:$0x3] =	sbarrier.arrive $0xFFFF;
	s2 =	simm.s32 @!p0 $0x1C01  }
0x170: {  	[timem:s3], [sflag:s2] =	dma.local @!p0 [hbm:s0], s1  }
0x171: {  	s0 =	simm.s32 @!p0 $0x1  }
0x172: {  	_ =	swait.ge @!p0 [sflag:s0], s1  }
0x173: {  	s1 =	ssub.s32 @!p0 $0x0, s1;
	[sflag:s0] =	ssyncset.done @!p0 $0x0  }
0x174: {  	[sflag:s0] =	ssyncadd.s32 @!p0 s1  }
0x175: {  	[bflag:$0x3] =	sbarrier.arrive $0xFFFF  }
0x176: {  	_ =	shalt  }

</sc_bundles>
